<compile_context>
chip_gen: v7x
topology: tpu7x:2x2x1
jax: 0.10.2.dev20260603
libtpu: 0.0.44.dev20260713+nightly
codegen_flags: <defaults>
</compile_context>

<pallas_src>
import functools

import jax
import jax.numpy as jnp
from jax import lax
from jax.experimental import pallas as pl
from jax.experimental.pallas import tpu as pltpu
from jax.experimental.pallas import tpu_sc as plsc

_T = 1000
_TPAD = 1024
_B = 16384
_NC = 2
_NS = 16
_NW = _NC * _NS
_BPW = _B // _NW
_L = 16


def _tables_body(betas_ref, out_ref):
    b = jnp.concatenate(
        [betas_ref[...], jnp.zeros((1, _TPAD - _T), jnp.float32)], axis=1)
    lane = lax.broadcasted_iota(jnp.int32, (1, _TPAD), 1)
    a = 1.0 - b
    ab = a
    s = 1
    while s < _TPAD:
        ab = ab * jnp.where(lane < s, 1.0, pltpu.roll(ab, s, 1))
        s *= 2
    ab_prev = jnp.where(lane < 1, 1.0, pltpu.roll(ab, 1, 1))
    bt = (1.0 - ab_prev) / (1.0 - ab) * b
    out_ref[0:1, :] = a
    out_ref[1:2, :] = ab
    out_ref[2:3, :] = b
    out_ref[3:4, :] = bt
    out_ref[4:5, :] = jnp.sqrt(b)


_tables = pl.pallas_call(
    _tables_body,
    out_shape=jax.ShapeDtypeStruct((5, _TPAD), jnp.float32),
)


@functools.cache
def _make_sc_gather():
    mesh = plsc.VectorSubcoreMesh(
        core_axis_name="c", subcore_axis_name="s",
        num_cores=_NC, num_subcores=_NS)

    @functools.partial(
        pl.kernel,
        out_type=jax.ShapeDtypeStruct((5, _B), jnp.float32),
        mesh=mesh,
        compiler_params=pltpu.CompilerParams(needs_layout_passes=False),
        scratch_types=[
            pltpu.VMEM((5, _TPAD), jnp.float32),
            pltpu.VMEM((_BPW,), jnp.int32),
            pltpu.VMEM((5, _BPW), jnp.float32),
            pltpu.SemaphoreType.DMA,
            pltpu.SemaphoreType.DMA,
        ],
    )
    def _sc_gather(tab_hbm, t_hbm, out_hbm, tab_v, idx_v, out_v,
                   sem_tab, sem_idx):
        wid = lax.axis_index("s") * _NC + lax.axis_index("c")
        base = wid * _BPW
        tab_cp = pltpu.async_copy(tab_hbm, tab_v, sem_tab)
        idx_cp = pltpu.async_copy(t_hbm.at[pl.ds(base, _BPW)], idx_v, sem_idx)
        tab_cp.wait()
        idx_cp.wait()
        for i in range(_BPW // _L):
            idx = idx_v[pl.ds(i * _L, _L)]
            for j in range(5):
                row = jnp.full((_L,), j, jnp.int32)
                out_v[j, pl.ds(i * _L, _L)] = plsc.load_gather(
                    tab_v, [row, idx])
        pltpu.sync_copy(out_v, out_hbm.at[:, pl.ds(base, _BPW)])

    return _sc_gather


def kernel(t, betas):
    tables = _tables(betas.astype(jnp.float32).reshape(1, _T))
    return _make_sc_gather()(tables, t.astype(jnp.int32))

# --- scband reference (transcript-rebuilt; emitter-appended) ---
"""Pipeline reference for scband-noise-schedule-38826504356269 (READ-ONLY COPY).

The authoritative reference and input builder live on the scoring server;
editing this copy changes nothing except your own understanding.
"""

import jax, jax.numpy as jnp
import numpy as np

T = 1000
B = 16384


def setup_inputs(seed: int = 0) -> dict:
    key = jax.random.key(seed)
    # DDPM-style linear beta schedule in [1e-4, 0.02), strictly within [0, 1)
    betas = jnp.linspace(1e-4, 0.02, T, dtype=jnp.float32)
    t = jax.random.randint(jax.random.fold_in(key, 1), (B,), 0, T, dtype=jnp.int64 if jax.config.jax_enable_x64 else jnp.int32)
    return {"t": t, "betas": betas}


def reference(t, betas):
    # __init__: derive alpha, alphabar, betatilde from betas
    alpha = 1.0 - betas
    alphabar = jnp.cumprod(alpha, axis=0)
    betatilde = (1.0 - alphabar[:-1]) / (1.0 - alphabar[1:]) * betas[1:]
    betatilde = jnp.concatenate([jnp.zeros_like(betas[:1]), betatilde], axis=0)
    # lookup methods at timesteps t (gathers from the schedule tables)
    a = jnp.take(alpha, t, axis=0)
    ab = jnp.take(alphabar, t, axis=0)
    b = jnp.take(betas, t, axis=0)
    bt = jnp.take(betatilde, t, axis=0)
    sigma = jnp.sqrt(b)
    return jnp.stack([a, ab, b, bt, sigma], axis=0)

if __name__ == "__main__":
    import jax
    _d = setup_inputs()
    print(jax.jit(kernel)(*tuple(_d.values())))

</pallas_src>

<mosaic_0001>
#map = affine_map<(d0, d1) -> (0, 0)>
#map1 = affine_map<(d0, d1) -> (0)>
module attributes {stable_mosaic.version = 14 : i64} {
  func.func @_sc_gather(%arg0: i32, %arg1: i32, %arg2: memref<5x1024xf32, #tpu.memory_space<hbm>>, %arg3: memref<16384xi32, #tpu.memory_space<hbm>>, %arg4: memref<5x16384xf32, #tpu.memory_space<hbm>>, %arg5: memref<5x1024xf32, #tpu.memory_space<vmem>>, %arg6: memref<512xi32, #tpu.memory_space<vmem>>, %arg7: memref<5x512xf32, #tpu.memory_space<vmem>>, %arg8: memref<!tpu.dma_semaphore, #tpu.memory_space<semaphore_mem>>, %arg9: memref<!tpu.dma_semaphore, #tpu.memory_space<semaphore_mem>>) attributes {dimension_semantics = [#tpu.dimension_semantics<core_parallel>, #tpu.dimension_semantics<subcore_parallel>], iteration_bounds = array<i64: 2, 16>, scalar_prefetch = 0 : i64, scratch_operands = 5 : i64, tpu.core_type = #tpu.core_type<sc_vector_subcore>, window_params = [{transform_indices = #map}, {transform_indices = #map1}, {transform_indices = #map}]} {
    %mul3A = arith.constant 2 : i32
    %mul3A_0 = arith.muli %arg1, %mul3A : i32
    %add3A = arith.addi %mul3A_0, %arg0 : i32
    %mul3A_1 = arith.constant 512 : i32
    %mul3A_2 = arith.muli %add3A, %mul3A_1 : i32
    tpu.enqueue_dma source(%arg2 : memref<5x1024xf32, #tpu.memory_space<hbm>>) target(%arg5 : memref<5x1024xf32, #tpu.memory_space<vmem>>) target_semaphore(%arg8 : memref<!tpu.dma_semaphore, #tpu.memory_space<semaphore_mem>>)
    %dma_start3A = tpu.memref_slice %arg3[%mul3A_2] : memref<16384xi32, #tpu.memory_space<hbm>> -> memref<512xi32, #tpu.memory_space<hbm>>
    %dma_start3A_3 = tpu.memref_slice %arg3[%mul3A_2] : memref<16384xi32, #tpu.memory_space<hbm>> -> memref<512xi32, #tpu.memory_space<hbm>>
    tpu.enqueue_dma source(%dma_start3A_3 : memref<512xi32, #tpu.memory_space<hbm>>) target(%arg6 : memref<512xi32, #tpu.memory_space<vmem>>) target_semaphore(%arg9 : memref<!tpu.dma_semaphore, #tpu.memory_space<semaphore_mem>>)
    tpu.wait_dma2 semaphore(%arg8 : memref<!tpu.dma_semaphore, #tpu.memory_space<semaphore_mem>>) src(%arg2 : memref<5x1024xf32, #tpu.memory_space<hbm>>) dst(%arg5 : memref<5x1024xf32, #tpu.memory_space<vmem>>)
    %dma_wait3A = tpu.memref_slice %arg3[%mul3A_2] : memref<16384xi32, #tpu.memory_space<hbm>> -> memref<512xi32, #tpu.memory_space<hbm>>
    %dma_wait3A_4 = tpu.memref_slice %arg3[%mul3A_2] : memref<16384xi32, #tpu.memory_space<hbm>> -> memref<512xi32, #tpu.memory_space<hbm>>
    tpu.wait_dma2 semaphore(%arg9 : memref<!tpu.dma_semaphore, #tpu.memory_space<semaphore_mem>>) src(%dma_wait3A_4 : memref<512xi32, #tpu.memory_space<hbm>>) dst(%arg6 : memref<512xi32, #tpu.memory_space<vmem>>)
    %get3A = arith.constant 0 : index
    %get3A_5 = tpu.vector_load %arg6[%get3A] {strides = array<i32>} : memref<512xi32, #tpu.memory_space<vmem>>, vector<16xi32>,
    %broadcast_in_dim3A = arith.constant 0 : i32
    %broadcast_in_dim3A_6 = vector.broadcast %broadcast_in_dim3A : i32 to vector<16xi32>
    %gather3A = tpu.vector_load_idx %arg5[%broadcast_in_dim3A_6, %get3A_5] : memref<5x1024xf32, #tpu.memory_space<vmem>>[vector<16xi32>, vector<16xi32>], vector<16xf32>,
    %swap3A = arith.constant 0 : i32
    %swap3A_7 = arith.index_cast %swap3A : i32 to index
    %swap3A_8 = arith.constant 0 : index
    %swap3A_9 = tpu.vector_load %arg7[%swap3A_7, %swap3A_8] {strides = array<i32>} : memref<5x512xf32, #tpu.memory_space<vmem>>, vector<16xf32>,
    tpu.vector_store %arg7[%swap3A_7, %swap3A_8], %gather3A {strides = array<i32>} : memref<5x512xf32, #tpu.memory_space<vmem>>, vector<16xf32>,
    %broadcast_in_dim3A_10 = arith.constant 1 : i32
    %broadcast_in_dim3A_11 = vector.broadcast %broadcast_in_dim3A_10 : i32 to vector<16xi32>
    %gather3A_12 = tpu.vector_load_idx %arg5[%broadcast_in_dim3A_11, %get3A_5] : memref<5x1024xf32, #tpu.memory_space<vmem>>[vector<16xi32>, vector<16xi32>], vector<16xf32>,
    %swap3A_13 = arith.constant 1 : i32
    %swap3A_14 = arith.index_cast %swap3A_13 : i32 to index
    %swap3A_15 = arith.constant 0 : index
    %swap3A_16 = tpu.vector_load %arg7[%swap3A_14, %swap3A_15] {strides = array<i32>} : memref<5x512xf32, #tpu.memory_space<vmem>>, vector<16xf32>,
    tpu.vector_store %arg7[%swap3A_14, %swap3A_15], %gather3A_12 {strides = array<i32>} : memref<5x512xf32, #tpu.memory_space<vmem>>, vector<16xf32>,
    %broadcast_in_dim3A_17 = arith.constant 2 : i32
    %broadcast_in_dim3A_18 = vector.broadcast %broadcast_in_dim3A_17 : i32 to vector<16xi32>
    %gather3A_19 = tpu.vector_load_idx %arg5[%broadcast_in_dim3A_18, %get3A_5] : memref<5x1024xf32, #tpu.memory_space<vmem>>[vector<16xi32>, vector<16xi32>], vector<16xf32>,
    %swap3A_20 = arith.constant 2 : i32
    %swap3A_21 = arith.index_cast %swap3A_20 : i32 to index
    %swap3A_22 = arith.constant 0 : index
    %swap3A_23 = tpu.vector_load %arg7[%swap3A_21, %swap3A_22] {strides = array<i32>} : memref<5x512xf32, #tpu.memory_space<vmem>>, vector<16xf32>,
    tpu.vector_store %arg7[%swap3A_21, %swap3A_22], %gather3A_19 {strides = array<i32>} : memref<5x512xf32, #tpu.memory_space<vmem>>, vector<16xf32>,
    %broadcast_in_dim3A_24 = arith.constant 3 : i32
    %broadcast_in_dim3A_25 = vector.broadcast %broadcast_in_dim3A_24 : i32 to vector<16xi32>
    %gather3A_26 = tpu.vector_load_idx %arg5[%broadcast_in_dim3A_25, %get3A_5] : memref<5x1024xf32, #tpu.memory_space<vmem>>[vector<16xi32>, vector<16xi32>], vector<16xf32>,
    %swap3A_27 = arith.constant 3 : i32
    %swap3A_28 = arith.index_cast %swap3A_27 : i32 to index
    %swap3A_29 = arith.constant 0 : index
    %swap3A_30 = tpu.vector_load %arg7[%swap3A_28, %swap3A_29] {strides = array<i32>} : memref<5x512xf32, #tpu.memory_space<vmem>>, vector<16xf32>,
    tpu.vector_store %arg7[%swap3A_28, %swap3A_29], %gather3A_26 {strides = array<i32>} : memref<5x512xf32, #tpu.memory_space<vmem>>, vector<16xf32>,
    %broadcast_in_dim3A_31 = arith.constant 4 : i32
    %broadcast_in_dim3A_32 = vector.broadcast %broadcast_in_dim3A_31 : i32 to vector<16xi32>
    %gather3A_33 = tpu.vector_load_idx %arg5[%broadcast_in_dim3A_32, %get3A_5] : memref<5x1024xf32, #tpu.memory_space<vmem>>[vector<16xi32>, vector<16xi32>], vector<16xf32>,
    %swap3A_34 = arith.constant 4 : i32
    %swap3A_35 = arith.index_cast %swap3A_34 : i32 to index
    %swap3A_36 = arith.constant 0 : index
    %swap3A_37 = tpu.vector_load %arg7[%swap3A_35, %swap3A_36] {strides = array<i32>} : memref<5x512xf32, #tpu.memory_space<vmem>>, vector<16xf32>,
    tpu.vector_store %arg7[%swap3A_35, %swap3A_36], %gather3A_33 {strides = array<i32>} : memref<5x512xf32, #tpu.memory_space<vmem>>, vector<16xf32>,
    %get3A_38 = arith.constant 16 : index
    %get3A_39 = tpu.vector_load %arg6[%get3A_38] {strides = array<i32>} : memref<512xi32, #tpu.memory_space<vmem>>, vector<16xi32>,
    %broadcast_in_dim3A_40 = arith.constant 0 : i32
    %broadcast_in_dim3A_41 = vector.broadcast %broadcast_in_dim3A_40 : i32 to vector<16xi32>
    %gather3A_42 = tpu.vector_load_idx %arg5[%broadcast_in_dim3A_41, %get3A_39] : memref<5x1024xf32, #tpu.memory_space<vmem>>[vector<16xi32>, vector<16xi32>], vector<16xf32>,
    %swap3A_43 = arith.constant 0 : i32
    %swap3A_44 = arith.index_cast %swap3A_43 : i32 to index
    %swap3A_45 = arith.constant 16 : index
    %swap3A_46 = tpu.vector_load %arg7[%swap3A_44, %swap3A_45] {strides = array<i32>} : memref<5x512xf32, #tpu.memory_space<vmem>>, vector<16xf32>,
    tpu.vector_store %arg7[%swap3A_44, %swap3A_45], %gather3A_42 {strides = array<i32>} : memref<5x512xf32, #tpu.memory_space<vmem>>, vector<16xf32>,
    %broadcast_in_dim3A_47 = arith.constant 1 : i32
    %broadcast_in_dim3A_48 = vector.broadcast %broadcast_in_dim3A_47 : i32 to vector<16xi32>
    %gather3A_49 = tpu.vector_load_idx %arg5[%broadcast_in_dim3A_48, %get3A_39] : memref<5x1024xf32, #tpu.memory_space<vmem>>[vector<16xi32>, vector<16xi32>], vector<16xf32>,
    %swap3A_50 = arith.constant 1 : i32
    %swap3A_51 = arith.index_cast %swap3A_50 : i32 to index
    %swap3A_52 = arith.constant 16 : index
    %swap3A_53 = tpu.vector_load %arg7[%swap3A_51, %swap3A_52] {strides = array<i32>} : memref<5x512xf32, #tpu.memory_space<vmem>>, vector<16xf32>,
    tpu.vector_store %arg7[%swap3A_51, %swap3A_52], %gather3A_49 {strides = array<i32>} : memref<5x512xf32, #tpu.memory_space<vmem>>, vector<16xf32>,
    %broadcast_in_dim3A_54 = arith.constant 2 : i32
    %broadcast_in_dim3A_55 = vector.broadcast %broadcast_in_dim3A_54 : i32 to vector<16xi32>
    %gather3A_56 = tpu.vector_load_idx %arg5[%broadcast_in_dim3A_55, %get3A_39] : memref<5x1024xf32, #tpu.memory_space<vmem>>[vector<16xi32>, vector<16xi32>], vector<16xf32>,
    %swap3A_57 = arith.constant 2 : i32
    %swap3A_58 = arith.index_cast %swap3A_57 : i32 to index
    %swap3A_59 = arith.constant 16 : index
    %swap3A_60 = tpu.vector_load %arg7[%swap3A_58, %swap3A_59] {strides = array<i32>} : memref<5x512xf32, #tpu.memory_space<vmem>>, vector<16xf32>,
    tpu.vector_store %arg7[%swap3A_58, %swap3A_59], %gather3A_56 {strides = array<i32>} : memref<5x512xf32, #tpu.memory_space<vmem>>, vector<16xf32>,
    %broadcast_in_dim3A_61 = arith.constant 3 : i32
    %broadcast_in_dim3A_62 = vector.broadcast %broadcast_in_dim3A_61 : i32 to vector<16xi32>
    %gather3A_63 = tpu.vector_load_idx %arg5[%broadcast_in_dim3A_62, %get3A_39] : memref<5x1024xf32, #tpu.memory_space<vmem>>[vector<16xi32>, vector<16xi32>], vector<16xf32>,
    %swap3A_64 = arith.constant 3 : i32
    %swap3A_65 = arith.index_cast %swap3A_64 : i32 to index
    %swap3A_66 = arith.constant 16 : index
    %swap3A_67 = tpu.vector_load %arg7[%swap3A_65, %swap3A_66] {strides = array<i32>} : memref<5x512xf32, #tpu.memory_space<vmem>>, vector<16xf32>,
    tpu.vector_store %arg7[%swap3A_65, %swap3A_66], %gather3A_63 {strides = array<i32>} : memref<5x512xf32, #tpu.memory_space<vmem>>, vector<16xf32>,
    %broadcast_in_dim3A_68 = arith.constant 4 : i32
    %broadcast_in_dim3A_69 = vector.broadcast %broadcast_in_dim3A_68 : i32 to vector<16xi32>
    %gather3A_70 = tpu.vector_load_idx %arg5[%broadcast_in_dim3A_69, %get3A_39] : memref<5x1024xf32, #tpu.memory_space<vmem>>[vector<16xi32>, vector<16xi32>], vector<16xf32>,
    %swap3A_71 = arith.constant 4 : i32
    %swap3A_72 = arith.index_cast %swap3A_71 : i32 to index
    %swap3A_73 = arith.constant 16 : index
    %swap3A_74 = tpu.vector_load %arg7[%swap3A_72, %swap3A_73] {strides = array<i32>} : memref<5x512xf32, #tpu.memory_space<vmem>>, vector<16xf32>,
    tpu.vector_store %arg7[%swap3A_72, %swap3A_73], %gather3A_70 {strides = array<i32>} : memref<5x512xf32, #tpu.memory_space<vmem>>, vector<16xf32>,
    %get3A_75 = arith.constant 32 : index
    %get3A_76 = tpu.vector_load %arg6[%get3A_75] {strides = array<i32>} : memref<512xi32, #tpu.memory_space<vmem>>, vector<16xi32>,
    %broadcast_in_dim3A_77 = arith.constant 0 : i32
    %broadcast_in_dim3A_78 = vector.broadcast %broadcast_in_dim3A_77 : i32 to vector<16xi32>
    %gather3A_79 = tpu.vector_load_idx %arg5[%broadcast_in_dim3A_78, %get3A_76] : memref<5x1024xf32, #tpu.memory_space<vmem>>[vector<16xi32>, vector<16xi32>], vector<16xf32>,
    %swap3A_80 = arith.constant 0 : i32
    %swap3A_81 = arith.index_cast %swap3A_80 : i32 to index
    %swap3A_82 = arith.constant 32 : index
    %swap3A_83 = tpu.vector_load %arg7[%swap3A_81, %swap3A_82] {strides = array<i32>} : memref<5x512xf32, #tpu.memory_space<vmem>>, vector<16xf32>,
    tpu.vector_store %arg7[%swap3A_81, %swap3A_82], %gather3A_79 {strides = array<i32>} : memref<5x512xf32, #tpu.memory_space<vmem>>, vector<16xf32>,
    %broadcast_in_dim3A_84 = arith.constant 1 : i32
    %broadcast_in_dim3A_85 = vector.broadcast %broadcast_in_dim3A_84 : i32 to vector<16xi32>
    %gather3A_86 = tpu.vector_load_idx %arg5[%broadcast_in_dim3A_85, %get3A_76] : memref<5x1024xf32, #tpu.memory_space<vmem>>[vector<16xi32>, vector<16xi32>], vector<16xf32>,
    %swap3A_87 = arith.constant 1 : i32
    %swap3A_88 = arith.index_cast %swap3A_87 : i32 to index
    %swap3A_89 = arith.constant 32 : index
    %swap3A_90 = tpu.vector_load %arg7[%swap3A_88, %swap3A_89] {strides = array<i32>} : memref<5x512xf32, #tpu.memory_space<vmem>>, vector<16xf32>,
    tpu.vector_store %arg7[%swap3A_88, %swap3A_89], %gather3A_86 {strides = array<i32>} : memref<5x512xf32, #tpu.memory_space<vmem>>, vector<16xf32>,
    %broadcast_in_dim3A_91 = arith.constant 2 : i32
    %broadcast_in_dim3A_92 = vector.broadcast %broadcast_in_dim3A_91 : i32 to vector<16xi32>
    %gather3A_93 = tpu.vector_load_idx %arg5[%broadcast_in_dim3A_92, %get3A_76] : memref<5x1024xf32, #tpu.memory_space<vmem>>[vector<16xi32>, vector<16xi32>], vector<16xf32>,
    %swap3A_94 = arith.constant 2 : i32
    %swap3A_95 = arith.index_cast %swap3A_94 : i32 to index
    %swap3A_96 = arith.constant 32 : index
    %swap3A_97 = tpu.vector_load %arg7[%swap3A_95, %swap3A_96] {strides = array<i32>} : memref<5x512xf32, #tpu.memory_space<vmem>>, vector<16xf32>,
    tpu.vector_store %arg7[%swap3A_95, %swap3A_96], %gather3A_93 {strides = array<i32>} : memref<5x512xf32, #tpu.memory_space<vmem>>, vector<16xf32>,
    %broadcast_in_dim3A_98 = arith.constant 3 : i32
    %broadcast_in_dim3A_99 = vector.broadcast %broadcast_in_dim3A_98 : i32 to vector<16xi32>
    %gather3A_100 = tpu.vector_load_idx %arg5[%broadcast_in_dim3A_99, %get3A_76] : memref<5x1024xf32, #tpu.memory_space<vmem>>[vector<16xi32>, vector<16xi32>], vector<16xf32>,
    %swap3A_101 = arith.constant 3 : i32
    %swap3A_102 = arith.index_cast %swap3A_101 : i32 to index
    %swap3A_103 = arith.constant 32 : index
    %swap3A_104 = tpu.vector_load %arg7[%swap3A_102, %swap3A_103] {strides = array<i32>} : memref<5x512xf32, #tpu.memory_space<vmem>>, vector<16xf32>,
    tpu.vector_store %arg7[%swap3A_102, %swap3A_103], %gather3A_100 {strides = array<i32>} : memref<5x512xf32, #tpu.memory_space<vmem>>, vector<16xf32>,
    %broadcast_in_dim3A_105 = arith.constant 4 : i32
    %broadcast_in_dim3A_106 = vector.broadcast %broadcast_in_dim3A_105 : i32 to vector<16xi32>
    %gather3A_107 = tpu.vector_load_idx %arg5[%broadcast_in_dim3A_106, %get3A_76] : memref<5x1024xf32, #tpu.memory_space<vmem>>[vector<16xi32>, vector<16xi32>], vector<16xf32>,
    %swap3A_108 = arith.constant 4 : i32
    %swap3A_109 = arith.index_cast %swap3A_108 : i32 to index
    %swap3A_110 = arith.constant 32 : index
    %swap3A_111 = tpu.vector_load %arg7[%swap3A_109, %swap3A_110] {strides = array<i32>} : memref<5x512xf32, #tpu.memory_space<vmem>>, vector<16xf32>,
    tpu.vector_store %arg7[%swap3A_109, %swap3A_110], %gather3A_107 {strides = array<i32>} : memref<5x512xf32, #tpu.memory_space<vmem>>, vector<16xf32>,
    %get3A_112 = arith.constant 48 : index
    %get3A_113 = tpu.vector_load %arg6[%get3A_112] {strides = array<i32>} : memref<512xi32, #tpu.memory_space<vmem>>, vector<16xi32>,
    %broadcast_in_dim3A_114 = arith.constant 0 : i32
    %broadcast_in_dim3A_115 = vector.broadcast %broadcast_in_dim3A_114 : i32 to vector<16xi32>
    %gather3A_116 = tpu.vector_load_idx %arg5[%broadcast_in_dim3A_115, %get3A_113] : memref<5x1024xf32, #tpu.memory_space<vmem>>[vector<16xi32>, vector<16xi32>], vector<16xf32>,
    %swap3A_117 = arith.constant 0 : i32
    %swap3A_118 = arith.index_cast %swap3A_117 : i32 to index
    %swap3A_119 = arith.constant 48 : index
    %swap3A_120 = tpu.vector_load %arg7[%swap3A_118, %swap3A_119] {strides = array<i32>} : memref<5x512xf32, #tpu.memory_space<vmem>>, vector<16xf32>,
    tpu.vector_store %arg7[%swap3A_118, %swap3A_119], %gather3A_116 {strides = array<i32>} : memref<5x512xf32, #tpu.memory_space<vmem>>, vector<16xf32>,
    %broadcast_in_dim3A_121 = arith.constant 1 : i32
    %broadcast_in_dim3A_122 = vector.broadcast %broadcast_in_dim3A_121 : i32 to vector<16xi32>
    %gather3A_123 = tpu.vector_load_idx %arg5[%broadcast_in_dim3A_122, %get3A_113] : memref<5x1024xf32, #tpu.memory_space<vmem>>[vector<16xi32>, vector<16xi32>], vector<16xf32>,
    %swap3A_124 = arith.constant 1 : i32
    %swap3A_125 = arith.index_cast %swap3A_124 : i32 to index
    %swap3A_126 = arith.constant 48 : index
    %swap3A_127 = tpu.vector_load %arg7[%swap3A_125, %swap3A_126] {strides = array<i32>} : memref<5x512xf32, #tpu.memory_space<vmem>>, vector<16xf32>,
    tpu.vector_store %arg7[%swap3A_125, %swap3A_126], %gather3A_123 {strides = array<i32>} : memref<5x512xf32, #tpu.memory_space<vmem>>, vector<16xf32>,
    %broadcast_in_dim3A_128 = arith.constant 2 : i32
    %broadcast_in_dim3A_129 = vector.broadcast %broadcast_in_dim3A_128 : i32 to vector<16xi32>
    %gather3A_130 = tpu.vector_load_idx %arg5[%broadcast_in_dim3A_129, %get3A_113] : memref<5x1024xf32, #tpu.memory_space<vmem>>[vector<16xi32>, vector<16xi32>], vector<16xf32>,
    %swap3A_131 = arith.constant 2 : i32
    %swap3A_132 = arith.index_cast %swap3A_131 : i32 to index
    %swap3A_133 = arith.constant 48 : index
    %swap3A_134 = tpu.vector_load %arg7[%swap3A_132, %swap3A_133] {strides = array<i32>} : memref<5x512xf32, #tpu.memory_space<vmem>>, vector<16xf32>,
    tpu.vector_store %arg7[%swap3A_132, %swap3A_133], %gather3A_130 {strides = array<i32>} : memref<5x512xf32, #tpu.memory_space<vmem>>, vector<16xf32>,
    %broadcast_in_dim3A_135 = arith.constant 3 : i32
    %broadcast_in_dim3A_136 = vector.broadcast %broadcast_in_dim3A_135 : i32 to vector<16xi32>
    %gather3A_137 = tpu.vector_load_idx %arg5[%broadcast_in_dim3A_136, %get3A_113] : memref<5x1024xf32, #tpu.memory_space<vmem>>[vector<16xi32>, vector<16xi32>], vector<16xf32>,
    %swap3A_138 = arith.constant 3 : i32
    %swap3A_139 = arith.index_cast %swap3A_138 : i32 to index
    %swap3A_140 = arith.constant 48 : index
    %swap3A_141 = tpu.vector_load %arg7[%swap3A_139, %swap3A_140] {strides = array<i32>} : memref<5x512xf32, #tpu.memory_space<vmem>>, vector<16xf32>,
    tpu.vector_store %arg7[%swap3A_139, %swap3A_140], %gather3A_137 {strides = array<i32>} : memref<5x512xf32, #tpu.memory_space<vmem>>, vector<16xf32>,
    %broadcast_in_dim3A_142 = arith.constant 4 : i32
    %broadcast_in_dim3A_143 = vector.broadcast %broadcast_in_dim3A_142 : i32 to vector<16xi32>
    %gather3A_144 = tpu.vector_load_idx %arg5[%broadcast_in_dim3A_143, %get3A_113] : memref<5x1024xf32, #tpu.memory_space<vmem>>[vector<16xi32>, vector<16xi32>], vector<16xf32>,
    %swap3A_145 = arith.constant 4 : i32
    %swap3A_146 = arith.index_cast %swap3A_145 : i32 to index
    %swap3A_147 = arith.constant 48 : index
    %swap3A_148 = tpu.vector_load %arg7[%swap3A_146, %swap3A_147] {strides = array<i32>} : memref<5x512xf32, #tpu.memory_space<vmem>>, vector<16xf32>,
    tpu.vector_store %arg7[%swap3A_146, %swap3A_147], %gather3A_144 {strides = array<i32>} : memref<5x512xf32, #tpu.memory_space<vmem>>, vector<16xf32>,
    %get3A_149 = arith.constant 64 : index
    %get3A_150 = tpu.vector_load %arg6[%get3A_149] {strides = array<i32>} : memref<512xi32, #tpu.memory_space<vmem>>, vector<16xi32>,
    %broadcast_in_dim3A_151 = arith.constant 0 : i32
    %broadcast_in_dim3A_152 = vector.broadcast %broadcast_in_dim3A_151 : i32 to vector<16xi32>
    %gather3A_153 = tpu.vector_load_idx %arg5[%broadcast_in_dim3A_152, %get3A_150] : memref<5x1024xf32, #tpu.memory_space<vmem>>[vector<16xi32>, vector<16xi32>], vector<16xf32>,
    %swap3A_154 = arith.constant 0 : i32
    %swap3A_155 = arith.index_cast %swap3A_154 : i32 to index
    %swap3A_156 = arith.constant 64 : index
    %swap3A_157 = tpu.vector_load %arg7[%swap3A_155, %swap3A_156] {strides = array<i32>} : memref<5x512xf32, #tpu.memory_space<vmem>>, vector<16xf32>,
    tpu.vector_store %arg7[%swap3A_155, %swap3A_156], %gather3A_153 {strides = array<i32>} : memref<5x512xf32, #tpu.memory_space<vmem>>, vector<16xf32>,
    %broadcast_in_dim3A_158 = arith.constant 1 : i32
    %broadcast_in_dim3A_159 = vector.broadcast %broadcast_in_dim3A_158 : i32 to vector<16xi32>
    %gather3A_160 = tpu.vector_load_idx %arg5[%broadcast_in_dim3A_159, %get3A_150] : memref<5x1024xf32, #tpu.memory_space<vmem>>[vector<16xi32>, vector<16xi32>], vector<16xf32>,
    %swap3A_161 = arith.constant 1 : i32
    %swap3A_162 = arith.index_cast %swap3A_161 : i32 to index
    %swap3A_163 = arith.constant 64 : index
    %swap3A_164 = tpu.vector_load %arg7[%swap3A_162, %swap3A_163] {strides = array<i32>} : memref<5x512xf32, #tpu.memory_space<vmem>>, vector<16xf32>,
    tpu.vector_store %arg7[%swap3A_162, %swap3A_163], %gather3A_160 {strides = array<i32>} : memref<5x512xf32, #tpu.memory_space<vmem>>, vector<16xf32>,
    %broadcast_in_dim3A_165 = arith.constant 2 : i32
    %broadcast_in_dim3A_166 = vector.broadcast %broadcast_in_dim3A_165 : i32 to vector<16xi32>
    %gather3A_167 = tpu.vector_load_idx %arg5[%broadcast_in_dim3A_166, %get3A_150] : memref<5x1024xf32, #tpu.memory_space<vmem>>[vector<16xi32>, vector<16xi32>], vector<16xf32>,
    %swap3A_168 = arith.constant 2 : i32
    %swap3A_169 = arith.index_cast %swap3A_168 : i32 to index
    %swap3A_170 = arith.constant 64 : index
    %swap3A_171 = tpu.vector_load %arg7[%swap3A_169, %swap3A_170] {strides = array<i32>} : memref<5x512xf32, #tpu.memory_space<vmem>>, vector<16xf32>,
    tpu.vector_store %arg7[%swap3A_169, %swap3A_170], %gather3A_167 {strides = array<i32>} : memref<5x512xf32, #tpu.memory_space<vmem>>, vector<16xf32>,
    %broadcast_in_dim3A_172 = arith.constant 3 : i32
    %broadcast_in_dim3A_173 = vector.broadcast %broadcast_in_dim3A_172 : i32 to vector<16xi32>
    %gather3A_174 = tpu.vector_load_idx %arg5[%broadcast_in_dim3A_173, %get3A_150] : memref<5x1024xf32, #tpu.memory_space<vmem>>[vector<16xi32>, vector<16xi32>], vector<16xf32>,
    %swap3A_175 = arith.constant 3 : i32
    %swap3A_176 = arith.index_cast %swap3A_175 : i32 to index
    %swap3A_177 = arith.constant 64 : index
    %swap3A_178 = tpu.vector_load %arg7[%swap3A_176, %swap3A_177] {strides = array<i32>} : memref<5x512xf32, #tpu.memory_space<vmem>>, vector<16xf32>,
    tpu.vector_store %arg7[%swap3A_176, %swap3A_177], %gather3A_174 {strides = array<i32>} : memref<5x512xf32, #tpu.memory_space<vmem>>, vector<16xf32>,
    %broadcast_in_dim3A_179 = arith.constant 4 : i32
    %broadcast_in_dim3A_180 = vector.broadcast %broadcast_in_dim3A_179 : i32 to vector<16xi32>
    %gather3A_181 = tpu.vector_load_idx %arg5[%broadcast_in_dim3A_180, %get3A_150] : memref<5x1024xf32, #tpu.memory_space<vmem>>[vector<16xi32>, vector<16xi32>], vector<16xf32>,
    %swap3A_182 = arith.constant 4 : i32
    %swap3A_183 = arith.index_cast %swap3A_182 : i32 to index
    %swap3A_184 = arith.constant 64 : index
    %swap3A_185 = tpu.vector_load %arg7[%swap3A_183, %swap3A_184] {strides = array<i32>} : memref<5x512xf32, #tpu.memory_space<vmem>>, vector<16xf32>,
    tpu.vector_store %arg7[%swap3A_183, %swap3A_184], %gather3A_181 {strides = array<i32>} : memref<5x512xf32, #tpu.memory_space<vmem>>, vector<16xf32>,
    %get3A_186 = arith.constant 80 : index
    %get3A_187 = tpu.vector_load %arg6[%get3A_186] {strides = array<i32>} : memref<512xi32, #tpu.memory_space<vmem>>, vector<16xi32>,
    %broadcast_in_dim3A_188 = arith.constant 0 : i32
    %broadcast_in_dim3A_189 = vector.broadcast %broadcast_in_dim3A_188 : i32 to vector<16xi32>
    %gather3A_190 = tpu.vector_load_idx %arg5[%broadcast_in_dim3A_189, %get3A_187] : memref<5x1024xf32, #tpu.memory_space<vmem>>[vector<16xi32>, vector<16xi32>], vector<16xf32>,
    %swap3A_191 = arith.constant 0 : i32
    %swap3A_192 = arith.index_cast %swap3A_191 : i32 to index
    %swap3A_193 = arith.constant 80 : index
    %swap3A_194 = tpu.vector_load %arg7[%swap3A_192, %swap3A_193] {strides = array<i32>} : memref<5x512xf32, #tpu.memory_space<vmem>>, vector<16xf32>,
    tpu.vector_store %arg7[%swap3A_192, %swap3A_193], %gather3A_190 {strides = array<i32>} : memref<5x512xf32, #tpu.memory_space<vmem>>, vector<16xf32>,
    %broadcast_in_dim3A_195 = arith.constant 1 : i32
    %broadcast_in_dim3A_196 = vector.broadcast %broadcast_in_dim3A_195 : i32 to vector<16xi32>
    %gather3A_197 = tpu.vector_load_idx %arg5[%broadcast_in_dim3A_196, %get3A_187] : memref<5x1024xf32, #tpu.memory_space<vmem>>[vector<16xi32>, vector<16xi32>], vector<16xf32>,
    %swap3A_198 = arith.constant 1 : i32
    %swap3A_199 = arith.index_cast %swap3A_198 : i32 to index
    %swap3A_200 = arith.constant 80 : index
    %swap3A_201 = tpu.vector_load %arg7[%swap3A_199, %swap3A_200] {strides = array<i32>} : memref<5x512xf32, #tpu.memory_space<vmem>>, vector<16xf32>,
    tpu.vector_store %arg7[%swap3A_199, %swap3A_200], %gather3A_197 {strides = array<i32>} : memref<5x512xf32, #tpu.memory_space<vmem>>, vector<16xf32>,
    %broadcast_in_dim3A_202 = arith.constant 2 : i32
    %broadcast_in_dim3A_203 = vector.broadcast %broadcast_in_dim3A_202 : i32 to vector<16xi32>
    %gather3A_204 = tpu.vector_load_idx %arg5[%broadcast_in_dim3A_203, %get3A_187] : memref<5x1024xf32, #tpu.memory_space<vmem>>[vector<16xi32>, vector<16xi32>], vector<16xf32>,
    %swap3A_205 = arith.constant 2 : i32
    %swap3A_206 = arith.index_cast %swap3A_205 : i32 to index
    %swap3A_207 = arith.constant 80 : index
    %swap3A_208 = tpu.vector_load %arg7[%swap3A_206, %swap3A_207] {strides = array<i32>} : memref<5x512xf32, #tpu.memory_space<vmem>>, vector<16xf32>,
    tpu.vector_store %arg7[%swap3A_206, %swap3A_207], %gather3A_204 {strides = array<i32>} : memref<5x512xf32, #tpu.memory_space<vmem>>, vector<16xf32>,
    %broadcast_in_dim3A_209 = arith.constant 3 : i32
    %broadcast_in_dim3A_210 = vector.broadcast %broadcast_in_dim3A_209 : i32 to vector<16xi32>
    %gather3A_211 = tpu.vector_load_idx %arg5[%broadcast_in_dim3A_210, %get3A_187] : memref<5x1024xf32, #tpu.memory_space<vmem>>[vector<16xi32>, vector<16xi32>], vector<16xf32>,
    %swap3A_212 = arith.constant 3 : i32
    %swap3A_213 = arith.index_cast %swap3A_212 : i32 to index
    %swap3A_214 = arith.constant 80 : index
    %swap3A_215 = tpu.vector_load %arg7[%swap3A_213, %swap3A_214] {strides = array<i32>} : memref<5x512xf32, #tpu.memory_space<vmem>>, vector<16xf32>,
    tpu.vector_store %arg7[%swap3A_213, %swap3A_214], %gather3A_211 {strides = array<i32>} : memref<5x512xf32, #tpu.memory_space<vmem>>, vector<16xf32>,
    %broadcast_in_dim3A_216 = arith.constant 4 : i32
    %broadcast_in_dim3A_217 = vector.broadcast %broadcast_in_dim3A_216 : i32 to vector<16xi32>
    %gather3A_218 = tpu.vector_load_idx %arg5[%broadcast_in_dim3A_217, %get3A_187] : memref<5x1024xf32, #tpu.memory_space<vmem>>[vector<16xi32>, vector<16xi32>], vector<16xf32>,
    %swap3A_219 = arith.constant 4 : i32
    %swap3A_220 = arith.index_cast %swap3A_219 : i32 to index
    %swap3A_221 = arith.constant 80 : index
    %swap3A_222 = tpu.vector_load %arg7[%swap3A_220, %swap3A_221] {strides = array<i32>} : memref<5x512xf32, #tpu.memory_space<vmem>>, vector<16xf32>,
    tpu.vector_store %arg7[%swap3A_220, %swap3A_221], %gather3A_218 {strides = array<i32>} : memref<5x512xf32, #tpu.memory_space<vmem>>, vector<16xf32>,
    %get3A_223 = arith.constant 96 : index
    %get3A_224 = tpu.vector_load %arg6[%get3A_223] {strides = array<i32>} : memref<512xi32, #tpu.memory_space<vmem>>, vector<16xi32>,
    %broadcast_in_dim3A_225 = arith.constant 0 : i32
    %broadcast_in_dim3A_226 = vector.broadcast %broadcast_in_dim3A_225 : i32 to vector<16xi32>
    %gather3A_227 = tpu.vector_load_idx %arg5[%broadcast_in_dim3A_226, %get3A_224] : memref<5x1024xf32, #tpu.memory_space<vmem>>[vector<16xi32>, vector<16xi32>], vector<16xf32>,
    %swap3A_228 = arith.constant 0 : i32
    %swap3A_229 = arith.index_cast %swap3A_228 : i32 to index
    %swap3A_230 = arith.constant 96 : index
    %swap3A_231 = tpu.vector_load %arg7[%swap3A_229, %swap3A_230] {strides = array<i32>} : memref<5x512xf32, #tpu.memory_space<vmem>>, vector<16xf32>,
    tpu.vector_store %arg7[%swap3A_229, %swap3A_230], %gather3A_227 {strides = array<i32>} : memref<5x512xf32, #tpu.memory_space<vmem>>, vector<16xf32>,
    %broadcast_in_dim3A_232 = arith.constant 1 : i32
    %broadcast_in_dim3A_233 = vector.broadcast %broadcast_in_dim3A_232 : i32 to vector<16xi32>
    %gather3A_234 = tpu.vector_load_idx %arg5[%broadcast_in_dim3A_233, %get3A_224] : memref<5x1024xf32, #tpu.memory_space<vmem>>[vector<16xi32>, vector<16xi32>], vector<16xf32>,
    %swap3A_235 = arith.constant 1 : i32
    %swap3A_236 = arith.index_cast %swap3A_235 : i32 to index
    %swap3A_237 = arith.constant 96 : index
    %swap3A_238 = tpu.vector_load %arg7[%swap3A_236, %swap3A_237] {strides = array<i32>} : memref<5x512xf32, #tpu.memory_space<vmem>>, vector<16xf32>,
    tpu.vector_store %arg7[%swap3A_236, %swap3A_237], %gather3A_234 {strides = array<i32>} : memref<5x512xf32, #tpu.memory_space<vmem>>, vector<16xf32>,
    %broadcast_in_dim3A_239 = arith.constant 2 : i32
    %broadcast_in_dim3A_240 = vector.broadcast %broadcast_in_dim3A_239 : i32 to vector<16xi32>
    %gather3A_241 = tpu.vector_load_idx %arg5[%broadcast_in_dim3A_240, %get3A_224] : memref<5x1024xf32, #tpu.memory_space<vmem>>[vector<16xi32>, vector<16xi32>], vector<16xf32>,
    %swap3A_242 = arith.constant 2 : i32
    %swap3A_243 = arith.index_cast %swap3A_242 : i32 to index
    %swap3A_244 = arith.constant 96 : index
    %swap3A_245 = tpu.vector_load %arg7[%swap3A_243, %swap3A_244] {strides = array<i32>} : memref<5x512xf32, #tpu.memory_space<vmem>>, vector<16xf32>,
    tpu.vector_store %arg7[%swap3A_243, %swap3A_244], %gather3A_241 {strides = array<i32>} : memref<5x512xf32, #tpu.memory_space<vmem>>, vector<16xf32>,
    %broadcast_in_dim3A_246 = arith.constant 3 : i32
    %broadcast_in_dim3A_247 = vector.broadcast %broadcast_in_dim3A_246 : i32 to vector<16xi32>
    %gather3A_248 = tpu.vector_load_idx %arg5[%broadcast_in_dim3A_247, %get3A_224] : memref<5x1024xf32, #tpu.memory_space<vmem>>[vector<16xi32>, vector<16xi32>], vector<16xf32>,
    %swap3A_249 = arith.constant 3 : i32
    %swap3A_250 = arith.index_cast %swap3A_249 : i32 to index
    %swap3A_251 = arith.constant 96 : index
    %swap3A_252 = tpu.vector_load %arg7[%swap3A_250, %swap3A_251] {strides = array<i32>} : memref<5x512xf32, #tpu.memory_space<vmem>>, vector<16xf32>,
    tpu.vector_store %arg7[%swap3A_250, %swap3A_251], %gather3A_248 {strides = array<i32>} : memref<5x512xf32, #tpu.memory_space<vmem>>, vector<16xf32>,
    %broadcast_in_dim3A_253 = arith.constant 4 : i32
    %broadcast_in_dim3A_254 = vector.broadcast %broadcast_in_dim3A_253 : i32 to vector<16xi32>
    %gather3A_255 = tpu.vector_load_idx %arg5[%broadcast_in_dim3A_254, %get3A_224] : memref<5x1024xf32, #tpu.memory_space<vmem>>[vector<16xi32>, vector<16xi32>], vector<16xf32>,
    %swap3A_256 = arith.constant 4 : i32
    %swap3A_257 = arith.index_cast %swap3A_256 : i32 to index
    %swap3A_258 = arith.constant 96 : index
    %swap3A_259 = tpu.vector_load %arg7[%swap3A_257, %swap3A_258] {strides = array<i32>} : memref<5x512xf32, #tpu.memory_space<vmem>>, vector<16xf32>,
    tpu.vector_store %arg7[%swap3A_257, %swap3A_258], %gather3A_255 {strides = array<i32>} : memref<5x512xf32, #tpu.memory_space<vmem>>, vector<16xf32>,
    %get3A_260 = arith.constant 112 : index
    %get3A_261 = tpu.vector_load %arg6[%get3A_260] {strides = array<i32>} : memref<512xi32, #tpu.memory_space<vmem>>, vector<16xi32>,
    %broadcast_in_dim3A_262 = arith.constant 0 : i32
    %broadcast_in_dim3A_263 = vector.broadcast %broadcast_in_dim3A_262 : i32 to vector<16xi32>
    %gather3A_264 = tpu.vector_load_idx %arg5[%broadcast_in_dim3A_263, %get3A_261] : memref<5x1024xf32, #tpu.memory_space<vmem>>[vector<16xi32>, vector<16xi32>], vector<16xf32>,
    %swap3A_265 = arith.constant 0 : i32
    %swap3A_266 = arith.index_cast %swap3A_265 : i32 to index
    %swap3A_267 = arith.constant 112 : index
    %swap3A_268 = tpu.vector_load %arg7[%swap3A_266, %swap3A_267] {strides = array<i32>} : memref<5x512xf32, #tpu.memory_space<vmem>>, vector<16xf32>,
    tpu.vector_store %arg7[%swap3A_266, %swap3A_267], %gather3A_264 {strides = array<i32>} : memref<5x512xf32, #tpu.memory_space<vmem>>, vector<16xf32>,
    %broadcast_in_dim3A_269 = arith.constant 1 : i32
    %broadcast_in_dim3A_270 = vector.broadcast %broadcast_in_dim3A_269 : i32 to vector<16xi32>
    %gather3A_271 = tpu.vector_load_idx %arg5[%broadcast_in_dim3A_270, %get3A_261] : memref<5x1024xf32, #tpu.memory_space<vmem>>[vector<16xi32>, vector<16xi32>], vector<16xf32>,
    %swap3A_272 = arith.constant 1 : i32
    %swap3A_273 = arith.index_cast %swap3A_272 : i32 to index
    %swap3A_274 = arith.constant 112 : index
    %swap3A_275 = tpu.vector_load %arg7[%swap3A_273, %swap3A_274] {strides = array<i32>} : memref<5x512xf32, #tpu.memory_space<vmem>>, vector<16xf32>,
    tpu.vector_store %arg7[%swap3A_273, %swap3A_274], %gather3A_271 {strides = array<i32>} : memref<5x512xf32, #tpu.memory_space<vmem>>, vector<16xf32>,
    %broadcast_in_dim3A_276 = arith.constant 2 : i32
    %broadcast_in_dim3A_277 = vector.broadcast %broadcast_in_dim3A_276 : i32 to vector<16xi32>
    %gather3A_278 = tpu.vector_load_idx %arg5[%broadcast_in_dim3A_277, %get3A_261] : memref<5x1024xf32, #tpu.memory_space<vmem>>[vector<16xi32>, vector<16xi32>], vector<16xf32>,
    %swap3A_279 = arith.constant 2 : i32
    %swap3A_280 = arith.index_cast %swap3A_279 : i32 to index
    %swap3A_281 = arith.constant 112 : index
    %swap3A_282 = tpu.vector_load %arg7[%swap3A_280, %swap3A_281] {strides = array<i32>} : memref<5x512xf32, #tpu.memory_space<vmem>>, vector<16xf32>,
    tpu.vector_store %arg7[%swap3A_280, %swap3A_281], %gather3A_278 {strides = array<i32>} : memref<5x512xf32, #tpu.memory_space<vmem>>, vector<16xf32>,
    %broadcast_in_dim3A_283 = arith.constant 3 : i32
    %broadcast_in_dim3A_284 = vector.broadcast %broadcast_in_dim3A_283 : i32 to vector<16xi32>
    %gather3A_285 = tpu.vector_load_idx %arg5[%broadcast_in_dim3A_284, %get3A_261] : memref<5x1024xf32, #tpu.memory_space<vmem>>[vector<16xi32>, vector<16xi32>], vector<16xf32>,
    %swap3A_286 = arith.constant 3 : i32
    %swap3A_287 = arith.index_cast %swap3A_286 : i32 to index
    %swap3A_288 = arith.constant 112 : index
    %swap3A_289 = tpu.vector_load %arg7[%swap3A_287, %swap3A_288] {strides = array<i32>} : memref<5x512xf32, #tpu.memory_space<vmem>>, vector<16xf32>,
    tpu.vector_store %arg7[%swap3A_287, %swap3A_288], %gather3A_285 {strides = array<i32>} : memref<5x512xf32, #tpu.memory_space<vmem>>, vector<16xf32>,
    %broadcast_in_dim3A_290 = arith.constant 4 : i32
    %broadcast_in_dim3A_291 = vector.broadcast %broadcast_in_dim3A_290 : i32 to vector<16xi32>
    %gather3A_292 = tpu.vector_load_idx %arg5[%broadcast_in_dim3A_291, %get3A_261] : memref<5x1024xf32, #tpu.memory_space<vmem>>[vector<16xi32>, vector<16xi32>], vector<16xf32>,
    %swap3A_293 = arith.constant 4 : i32
    %swap3A_294 = arith.index_cast %swap3A_293 : i32 to index
    %swap3A_295 = arith.constant 112 : index
    %swap3A_296 = tpu.vector_load %arg7[%swap3A_294, %swap3A_295] {strides = array<i32>} : memref<5x512xf32, #tpu.memory_space<vmem>>, vector<16xf32>,
    tpu.vector_store %arg7[%swap3A_294, %swap3A_295], %gather3A_292 {strides = array<i32>} : memref<5x512xf32, #tpu.memory_space<vmem>>, vector<16xf32>,
    %get3A_297 = arith.constant 128 : index
    %get3A_298 = tpu.vector_load %arg6[%get3A_297] {strides = array<i32>} : memref<512xi32, #tpu.memory_space<vmem>>, vector<16xi32>,
    %broadcast_in_dim3A_299 = arith.constant 0 : i32
    %broadcast_in_dim3A_300 = vector.broadcast %broadcast_in_dim3A_299 : i32 to vector<16xi32>
    %gather3A_301 = tpu.vector_load_idx %arg5[%broadcast_in_dim3A_300, %get3A_298] : memref<5x1024xf32, #tpu.memory_space<vmem>>[vector<16xi32>, vector<16xi32>], vector<16xf32>,
    %swap3A_302 = arith.constant 0 : i32
    %swap3A_303 = arith.index_cast %swap3A_302 : i32 to index
    %swap3A_304 = arith.constant 128 : index
    %swap3A_305 = tpu.vector_load %arg7[%swap3A_303, %swap3A_304] {strides = array<i32>} : memref<5x512xf32, #tpu.memory_space<vmem>>, vector<16xf32>,
    tpu.vector_store %arg7[%swap3A_303, %swap3A_304], %gather3A_301 {strides = array<i32>} : memref<5x512xf32, #tpu.memory_space<vmem>>, vector<16xf32>,
    %broadcast_in_dim3A_306 = arith.constant 1 : i32
    %broadcast_in_dim3A_307 = vector.broadcast %broadcast_in_dim3A_306 : i32 to vector<16xi32>
    %gather3A_308 = tpu.vector_load_idx %arg5[%broadcast_in_dim3A_307, %get3A_298] : memref<5x1024xf32, #tpu.memory_space<vmem>>[vector<16xi32>, vector<16xi32>], vector<16xf32>,
    %swap3A_309 = arith.constant 1 : i32
    %swap3A_310 = arith.index_cast %swap3A_309 : i32 to index
    %swap3A_311 = arith.constant 128 : index
    %swap3A_312 = tpu.vector_load %arg7[%swap3A_310, %swap3A_311] {strides = array<i32>} : memref<5x512xf32, #tpu.memory_space<vmem>>, vector<16xf32>,
    tpu.vector_store %arg7[%swap3A_310, %swap3A_311], %gather3A_308 {strides = array<i32>} : memref<5x512xf32, #tpu.memory_space<vmem>>, vector<16xf32>,
    %broadcast_in_dim3A_313 = arith.constant 2 : i32
    %broadcast_in_dim3A_314 = vector.broadcast %broadcast_in_dim3A_313 : i32 to vector<16xi32>
    %gather3A_315 = tpu.vector_load_idx %arg5[%broadcast_in_dim3A_314, %get3A_298] : memref<5x1024xf32, #tpu.memory_space<vmem>>[vector<16xi32>, vector<16xi32>], vector<16xf32>,
    %swap3A_316 = arith.constant 2 : i32
    %swap3A_317 = arith.index_cast %swap3A_316 : i32 to index
    %swap3A_318 = arith.constant 128 : index
    %swap3A_319 = tpu.vector_load %arg7[%swap3A_317, %swap3A_318] {strides = array<i32>} : memref<5x512xf32, #tpu.memory_space<vmem>>, vector<16xf32>,
    tpu.vector_store %arg7[%swap3A_317, %swap3A_318], %gather3A_315 {strides = array<i32>} : memref<5x512xf32, #tpu.memory_space<vmem>>, vector<16xf32>,
    %broadcast_in_dim3A_320 = arith.constant 3 : i32
    %broadcast_in_dim3A_321 = vector.broadcast %broadcast_in_dim3A_320 : i32 to vector<16xi32>
    %gather3A_322 = tpu.vector_load_idx %arg5[%broadcast_in_dim3A_321, %get3A_298] : memref<5x1024xf32, #tpu.memory_space<vmem>>[vector<16xi32>, vector<16xi32>], vector<16xf32>,
    %swap3A_323 = arith.constant 3 : i32
    %swap3A_324 = arith.index_cast %swap3A_323 : i32 to index
    %swap3A_325 = arith.constant 128 : index
    %swap3A_326 = tpu.vector_load %arg7[%swap3A_324, %swap3A_325] {strides = array<i32>} : memref<5x512xf32, #tpu.memory_space<vmem>>, vector<16xf32>,
    tpu.vector_store %arg7[%swap3A_324, %swap3A_325], %gather3A_322 {strides = array<i32>} : memref<5x512xf32, #tpu.memory_space<vmem>>, vector<16xf32>,
    %broadcast_in_dim3A_327 = arith.constant 4 : i32
    %broadcast_in_dim3A_328 = vector.broadcast %broadcast_in_dim3A_327 : i32 to vector<16xi32>
    %gather3A_329 = tpu.vector_load_idx %arg5[%broadcast_in_dim3A_328, %get3A_298] : memref<5x1024xf32, #tpu.memory_space<vmem>>[vector<16xi32>, vector<16xi32>], vector<16xf32>,
    %swap3A_330 = arith.constant 4 : i32
    %swap3A_331 = arith.index_cast %swap3A_330 : i32 to index
    %swap3A_332 = arith.constant 128 : index
    %swap3A_333 = tpu.vector_load %arg7[%swap3A_331, %swap3A_332] {strides = array<i32>} : memref<5x512xf32, #tpu.memory_space<vmem>>, vector<16xf32>,
    tpu.vector_store %arg7[%swap3A_331, %swap3A_332], %gather3A_329 {strides = array<i32>} : memref<5x512xf32, #tpu.memory_space<vmem>>, vector<16xf32>,
    %get3A_334 = arith.constant 144 : index
    %get3A_335 = tpu.vector_load %arg6[%get3A_334] {strides = array<i32>} : memref<512xi32, #tpu.memory_space<vmem>>, vector<16xi32>,
    %broadcast_in_dim3A_336 = arith.constant 0 : i32
    %broadcast_in_dim3A_337 = vector.broadcast %broadcast_in_dim3A_336 : i32 to vector<16xi32>
    %gather3A_338 = tpu.vector_load_idx %arg5[%broadcast_in_dim3A_337, %get3A_335] : memref<5x1024xf32, #tpu.memory_space<vmem>>[vector<16xi32>, vector<16xi32>], vector<16xf32>,
    %swap3A_339 = arith.constant 0 : i32
    %swap3A_340 = arith.index_cast %swap3A_339 : i32 to index
    %swap3A_341 = arith.constant 144 : index
    %swap3A_342 = tpu.vector_load %arg7[%swap3A_340, %swap3A_341] {strides = array<i32>} : memref<5x512xf32, #tpu.memory_space<vmem>>, vector<16xf32>,
    tpu.vector_store %arg7[%swap3A_340, %swap3A_341], %gather3A_338 {strides = array<i32>} : memref<5x512xf32, #tpu.memory_space<vmem>>, vector<16xf32>,
    %broadcast_in_dim3A_343 = arith.constant 1 : i32
    %broadcast_in_dim3A_344 = vector.broadcast %broadcast_in_dim3A_343 : i32 to vector<16xi32>
    %gather3A_345 = tpu.vector_load_idx %arg5[%broadcast_in_dim3A_344, %get3A_335] : memref<5x1024xf32, #tpu.memory_space<vmem>>[vector<16xi32>, vector<16xi32>], vector<16xf32>,
    %swap3A_346 = arith.constant 1 : i32
    %swap3A_347 = arith.index_cast %swap3A_346 : i32 to index
    %swap3A_348 = arith.constant 144 : index
    %swap3A_349 = tpu.vector_load %arg7[%swap3A_347, %swap3A_348] {strides = array<i32>} : memref<5x512xf32, #tpu.memory_space<vmem>>, vector<16xf32>,
    tpu.vector_store %arg7[%swap3A_347, %swap3A_348], %gather3A_345 {strides = array<i32>} : memref<5x512xf32, #tpu.memory_space<vmem>>, vector<16xf32>,
    %broadcast_in_dim3A_350 = arith.constant 2 : i32
    %broadcast_in_dim3A_351 = vector.broadcast %broadcast_in_dim3A_350 : i32 to vector<16xi32>
    %gather3A_352 = tpu.vector_load_idx %arg5[%broadcast_in_dim3A_351, %get3A_335] : memref<5x1024xf32, #tpu.memory_space<vmem>>[vector<16xi32>, vector<16xi32>], vector<16xf32>,
    %swap3A_353 = arith.constant 2 : i32
    %swap3A_354 = arith.index_cast %swap3A_353 : i32 to index
    %swap3A_355 = arith.constant 144 : index
    %swap3A_356 = tpu.vector_load %arg7[%swap3A_354, %swap3A_355] {strides = array<i32>} : memref<5x512xf32, #tpu.memory_space<vmem>>, vector<16xf32>,
    tpu.vector_store %arg7[%swap3A_354, %swap3A_355], %gather3A_352 {strides = array<i32>} : memref<5x512xf32, #tpu.memory_space<vmem>>, vector<16xf32>,
    %broadcast_in_dim3A_357 = arith.constant 3 : i32
    %broadcast_in_dim3A_358 = vector.broadcast %broadcast_in_dim3A_357 : i32 to vector<16xi32>
    %gather3A_359 = tpu.vector_load_idx %arg5[%broadcast_in_dim3A_358, %get3A_335] : memref<5x1024xf32, #tpu.memory_space<vmem>>[vector<16xi32>, vector<16xi32>], vector<16xf32>,
    %swap3A_360 = arith.constant 3 : i32
    %swap3A_361 = arith.index_cast %swap3A_360 : i32 to index
    %swap3A_362 = arith.constant 144 : index
    %swap3A_363 = tpu.vector_load %arg7[%swap3A_361, %swap3A_362] {strides = array<i32>} : memref<5x512xf32, #tpu.memory_space<vmem>>, vector<16xf32>,
    tpu.vector_store %arg7[%swap3A_361, %swap3A_362], %gather3A_359 {strides = array<i32>} : memref<5x512xf32, #tpu.memory_space<vmem>>, vector<16xf32>,
    %broadcast_in_dim3A_364 = arith.constant 4 : i32
    %broadcast_in_dim3A_365 = vector.broadcast %broadcast_in_dim3A_364 : i32 to vector<16xi32>
    %gather3A_366 = tpu.vector_load_idx %arg5[%broadcast_in_dim3A_365, %get3A_335] : memref<5x1024xf32, #tpu.memory_space<vmem>>[vector<16xi32>, vector<16xi32>], vector<16xf32>,
    %swap3A_367 = arith.constant 4 : i32
    %swap3A_368 = arith.index_cast %swap3A_367 : i32 to index
    %swap3A_369 = arith.constant 144 : index
    %swap3A_370 = tpu.vector_load %arg7[%swap3A_368, %swap3A_369] {strides = array<i32>} : memref<5x512xf32, #tpu.memory_space<vmem>>, vector<16xf32>,
    tpu.vector_store %arg7[%swap3A_368, %swap3A_369], %gather3A_366 {strides = array<i32>} : memref<5x512xf32, #tpu.memory_space<vmem>>, vector<16xf32>,
    %get3A_371 = arith.constant 160 : index
    %get3A_372 = tpu.vector_load %arg6[%get3A_371] {strides = array<i32>} : memref<512xi32, #tpu.memory_space<vmem>>, vector<16xi32>,
    %broadcast_in_dim3A_373 = arith.constant 0 : i32
    %broadcast_in_dim3A_374 = vector.broadcast %broadcast_in_dim3A_373 : i32 to vector<16xi32>
    %gather3A_375 = tpu.vector_load_idx %arg5[%broadcast_in_dim3A_374, %get3A_372] : memref<5x1024xf32, #tpu.memory_space<vmem>>[vector<16xi32>, vector<16xi32>], vector<16xf32>,
    %swap3A_376 = arith.constant 0 : i32
    %swap3A_377 = arith.index_cast %swap3A_376 : i32 to index
    %swap3A_378 = arith.constant 160 : index
    %swap3A_379 = tpu.vector_load %arg7[%swap3A_377, %swap3A_378] {strides = array<i32>} : memref<5x512xf32, #tpu.memory_space<vmem>>, vector<16xf32>,
    tpu.vector_store %arg7[%swap3A_377, %swap3A_378], %gather3A_375 {strides = array<i32>} : memref<5x512xf32, #tpu.memory_space<vmem>>, vector<16xf32>,
    %broadcast_in_dim3A_380 = arith.constant 1 : i32
    %broadcast_in_dim3A_381 = vector.broadcast %broadcast_in_dim3A_380 : i32 to vector<16xi32>
    %gather3A_382 = tpu.vector_load_idx %arg5[%broadcast_in_dim3A_381, %get3A_372] : memref<5x1024xf32, #tpu.memory_space<vmem>>[vector<16xi32>, vector<16xi32>], vector<16xf32>,
    %swap3A_383 = arith.constant 1 : i32
    %swap3A_384 = arith.index_cast %swap3A_383 : i32 to index
    %swap3A_385 = arith.constant 160 : index
    %swap3A_386 = tpu.vector_load %arg7[%swap3A_384, %swap3A_385] {strides = array<i32>} : memref<5x512xf32, #tpu.memory_space<vmem>>, vector<16xf32>,
    tpu.vector_store %arg7[%swap3A_384, %swap3A_385], %gather3A_382 {strides = array<i32>} : memref<5x512xf32, #tpu.memory_space<vmem>>, vector<16xf32>,
    %broadcast_in_dim3A_387 = arith.constant 2 : i32
    %broadcast_in_dim3A_388 = vector.broadcast %broadcast_in_dim3A_387 : i32 to vector<16xi32>
    %gather3A_389 = tpu.vector_load_idx %arg5[%broadcast_in_dim3A_388, %get3A_372] : memref<5x1024xf32, #tpu.memory_space<vmem>>[vector<16xi32>, vector<16xi32>], vector<16xf32>,
    %swap3A_390 = arith.constant 2 : i32
    %swap3A_391 = arith.index_cast %swap3A_390 : i32 to index
    %swap3A_392 = arith.constant 160 : index
    %swap3A_393 = tpu.vector_load %arg7[%swap3A_391, %swap3A_392] {strides = array<i32>} : memref<5x512xf32, #tpu.memory_space<vmem>>, vector<16xf32>,
    tpu.vector_store %arg7[%swap3A_391, %swap3A_392], %gather3A_389 {strides = array<i32>} : memref<5x512xf32, #tpu.memory_space<vmem>>, vector<16xf32>,
    %broadcast_in_dim3A_394 = arith.constant 3 : i32
    %broadcast_in_dim3A_395 = vector.broadcast %broadcast_in_dim3A_394 : i32 to vector<16xi32>
    %gather3A_396 = tpu.vector_load_idx %arg5[%broadcast_in_dim3A_395, %get3A_372] : memref<5x1024xf32, #tpu.memory_space<vmem>>[vector<16xi32>, vector<16xi32>], vector<16xf32>,
    %swap3A_397 = arith.constant 3 : i32
    %swap3A_398 = arith.index_cast %swap3A_397 : i32 to index
    %swap3A_399 = arith.constant 160 : index
    %swap3A_400 = tpu.vector_load %arg7[%swap3A_398, %swap3A_399] {strides = array<i32>} : memref<5x512xf32, #tpu.memory_space<vmem>>, vector<16xf32>,
    tpu.vector_store %arg7[%swap3A_398, %swap3A_399], %gather3A_396 {strides = array<i32>} : memref<5x512xf32, #tpu.memory_space<vmem>>, vector<16xf32>,
    %broadcast_in_dim3A_401 = arith.constant 4 : i32
    %broadcast_in_dim3A_402 = vector.broadcast %broadcast_in_dim3A_401 : i32 to vector<16xi32>
    %gather3A_403 = tpu.vector_load_idx %arg5[%broadcast_in_dim3A_402, %get3A_372] : memref<5x1024xf32, #tpu.memory_space<vmem>>[vector<16xi32>, vector<16xi32>], vector<16xf32>,
    %swap3A_404 = arith.constant 4 : i32
    %swap3A_405 = arith.index_cast %swap3A_404 : i32 to index
    %swap3A_406 = arith.constant 160 : index
    %swap3A_407 = tpu.vector_load %arg7[%swap3A_405, %swap3A_406] {strides = array<i32>} : memref<5x512xf32, #tpu.memory_space<vmem>>, vector<16xf32>,
    tpu.vector_store %arg7[%swap3A_405, %swap3A_406], %gather3A_403 {strides = array<i32>} : memref<5x512xf32, #tpu.memory_space<vmem>>, vector<16xf32>,
    %get3A_408 = arith.constant 176 : index
    %get3A_409 = tpu.vector_load %arg6[%get3A_408] {strides = array<i32>} : memref<512xi32, #tpu.memory_space<vmem>>, vector<16xi32>,
    %broadcast_in_dim3A_410 = arith.constant 0 : i32
    %broadcast_in_dim3A_411 = vector.broadcast %broadcast_in_dim3A_410 : i32 to vector<16xi32>
    %gather3A_412 = tpu.vector_load_idx %arg5[%broadcast_in_dim3A_411, %get3A_409] : memref<5x1024xf32, #tpu.memory_space<vmem>>[vector<16xi32>, vector<16xi32>], vector<16xf32>,
    %swap3A_413 = arith.constant 0 : i32
    %swap3A_414 = arith.index_cast %swap3A_413 : i32 to index
    %swap3A_415 = arith.constant 176 : index
    %swap3A_416 = tpu.vector_load %arg7[%swap3A_414, %swap3A_415] {strides = array<i32>} : memref<5x512xf32, #tpu.memory_space<vmem>>, vector<16xf32>,
    tpu.vector_store %arg7[%swap3A_414, %swap3A_415], %gather3A_412 {strides = array<i32>} : memref<5x512xf32, #tpu.memory_space<vmem>>, vector<16xf32>,
    %broadcast_in_dim3A_417 = arith.constant 1 : i32
    %broadcast_in_dim3A_418 = vector.broadcast %broadcast_in_dim3A_417 : i32 to vector<16xi32>
    %gather3A_419 = tpu.vector_load_idx %arg5[%broadcast_in_dim3A_418, %get3A_409] : memref<5x1024xf32, #tpu.memory_space<vmem>>[vector<16xi32>, vector<16xi32>], vector<16xf32>,
    %swap3A_420 = arith.constant 1 : i32
    %swap3A_421 = arith.index_cast %swap3A_420 : i32 to index
    %swap3A_422 = arith.constant 176 : index
    %swap3A_423 = tpu.vector_load %arg7[%swap3A_421, %swap3A_422] {strides = array<i32>} : memref<5x512xf32, #tpu.memory_space<vmem>>, vector<16xf32>,
    tpu.vector_store %arg7[%swap3A_421, %swap3A_422], %gather3A_419 {strides = array<i32>} : memref<5x512xf32, #tpu.memory_space<vmem>>, vector<16xf32>,
    %broadcast_in_dim3A_424 = arith.constant 2 : i32
    %broadcast_in_dim3A_425 = vector.broadcast %broadcast_in_dim3A_424 : i32 to vector<16xi32>
    %gather3A_426 = tpu.vector_load_idx %arg5[%broadcast_in_dim3A_425, %get3A_409] : memref<5x1024xf32, #tpu.memory_space<vmem>>[vector<16xi32>, vector<16xi32>], vector<16xf32>,
    %swap3A_427 = arith.constant 2 : i32
    %swap3A_428 = arith.index_cast %swap3A_427 : i32 to index
    %swap3A_429 = arith.constant 176 : index
    %swap3A_430 = tpu.vector_load %arg7[%swap3A_428, %swap3A_429] {strides = array<i32>} : memref<5x512xf32, #tpu.memory_space<vmem>>, vector<16xf32>,
    tpu.vector_store %arg7[%swap3A_428, %swap3A_429], %gather3A_426 {strides = array<i32>} : memref<5x512xf32, #tpu.memory_space<vmem>>, vector<16xf32>,
    %broadcast_in_dim3A_431 = arith.constant 3 : i32
    %broadcast_in_dim3A_432 = vector.broadcast %broadcast_in_dim3A_431 : i32 to vector<16xi32>
    %gather3A_433 = tpu.vector_load_idx %arg5[%broadcast_in_dim3A_432, %get3A_409] : memref<5x1024xf32, #tpu.memory_space<vmem>>[vector<16xi32>, vector<16xi32>], vector<16xf32>,
    %swap3A_434 = arith.constant 3 : i32
    %swap3A_435 = arith.index_cast %swap3A_434 : i32 to index
    %swap3A_436 = arith.constant 176 : index
    %swap3A_437 = tpu.vector_load %arg7[%swap3A_435, %swap3A_436] {strides = array<i32>} : memref<5x512xf32, #tpu.memory_space<vmem>>, vector<16xf32>,
    tpu.vector_store %arg7[%swap3A_435, %swap3A_436], %gather3A_433 {strides = array<i32>} : memref<5x512xf32, #tpu.memory_space<vmem>>, vector<16xf32>,
    %broadcast_in_dim3A_438 = arith.constant 4 : i32
    %broadcast_in_dim3A_439 = vector.broadcast %broadcast_in_dim3A_438 : i32 to vector<16xi32>
    %gather3A_440 = tpu.vector_load_idx %arg5[%broadcast_in_dim3A_439, %get3A_409] : memref<5x1024xf32, #tpu.memory_space<vmem>>[vector<16xi32>, vector<16xi32>], vector<16xf32>,
    %swap3A_441 = arith.constant 4 : i32
    %swap3A_442 = arith.index_cast %swap3A_441 : i32 to index
    %swap3A_443 = arith.constant 176 : index
    %swap3A_444 = tpu.vector_load %arg7[%swap3A_442, %swap3A_443] {strides = array<i32>} : memref<5x512xf32, #tpu.memory_space<vmem>>, vector<16xf32>,
    tpu.vector_store %arg7[%swap3A_442, %swap3A_443], %gather3A_440 {strides = array<i32>} : memref<5x512xf32, #tpu.memory_space<vmem>>, vector<16xf32>,
    %get3A_445 = arith.constant 192 : index
    %get3A_446 = tpu.vector_load %arg6[%get3A_445] {strides = array<i32>} : memref<512xi32, #tpu.memory_space<vmem>>, vector<16xi32>,
    %broadcast_in_dim3A_447 = arith.constant 0 : i32
    %broadcast_in_dim3A_448 = vector.broadcast %broadcast_in_dim3A_447 : i32 to vector<16xi32>
    %gather3A_449 = tpu.vector_load_idx %arg5[%broadcast_in_dim3A_448, %get3A_446] : memref<5x1024xf32, #tpu.memory_space<vmem>>[vector<16xi32>, vector<16xi32>], vector<16xf32>,
    %swap3A_450 = arith.constant 0 : i32
    %swap3A_451 = arith.index_cast %swap3A_450 : i32 to index
    %swap3A_452 = arith.constant 192 : index
    %swap3A_453 = tpu.vector_load %arg7[%swap3A_451, %swap3A_452] {strides = array<i32>} : memref<5x512xf32, #tpu.memory_space<vmem>>, vector<16xf32>,
    tpu.vector_store %arg7[%swap3A_451, %swap3A_452], %gather3A_449 {strides = array<i32>} : memref<5x512xf32, #tpu.memory_space<vmem>>, vector<16xf32>,
    %broadcast_in_dim3A_454 = arith.constant 1 : i32
    %broadcast_in_dim3A_455 = vector.broadcast %broadcast_in_dim3A_454 : i32 to vector<16xi32>
    %gather3A_456 = tpu.vector_load_idx %arg5[%broadcast_in_dim3A_455, %get3A_446] : memref<5x1024xf32, #tpu.memory_space<vmem>>[vector<16xi32>, vector<16xi32>], vector<16xf32>,
    %swap3A_457 = arith.constant 1 : i32
    %swap3A_458 = arith.index_cast %swap3A_457 : i32 to index
    %swap3A_459 = arith.constant 192 : index
    %swap3A_460 = tpu.vector_load %arg7[%swap3A_458, %swap3A_459] {strides = array<i32>} : memref<5x512xf32, #tpu.memory_space<vmem>>, vector<16xf32>,
    tpu.vector_store %arg7[%swap3A_458, %swap3A_459], %gather3A_456 {strides = array<i32>} : memref<5x512xf32, #tpu.memory_space<vmem>>, vector<16xf32>,
    %broadcast_in_dim3A_461 = arith.constant 2 : i32
    %broadcast_in_dim3A_462 = vector.broadcast %broadcast_in_dim3A_461 : i32 to vector<16xi32>
    %gather3A_463 = tpu.vector_load_idx %arg5[%broadcast_in_dim3A_462, %get3A_446] : memref<5x1024xf32, #tpu.memory_space<vmem>>[vector<16xi32>, vector<16xi32>], vector<16xf32>,
    %swap3A_464 = arith.constant 2 : i32
    %swap3A_465 = arith.index_cast %swap3A_464 : i32 to index
    %swap3A_466 = arith.constant 192 : index
    %swap3A_467 = tpu.vector_load %arg7[%swap3A_465, %swap3A_466] {strides = array<i32>} : memref<5x512xf32, #tpu.memory_space<vmem>>, vector<16xf32>,
    tpu.vector_store %arg7[%swap3A_465, %swap3A_466], %gather3A_463 {strides = array<i32>} : memref<5x512xf32, #tpu.memory_space<vmem>>, vector<16xf32>,
    %broadcast_in_dim3A_468 = arith.constant 3 : i32
    %broadcast_in_dim3A_469 = vector.broadcast %broadcast_in_dim3A_468 : i32 to vector<16xi32>
    %gather3A_470 = tpu.vector_load_idx %arg5[%broadcast_in_dim3A_469, %get3A_446] : memref<5x1024xf32, #tpu.memory_space<vmem>>[vector<16xi32>, vector<16xi32>], vector<16xf32>,
    %swap3A_471 = arith.constant 3 : i32
    %swap3A_472 = arith.index_cast %swap3A_471 : i32 to index
    %swap3A_473 = arith.constant 192 : index
    %swap3A_474 = tpu.vector_load %arg7[%swap3A_472, %swap3A_473] {strides = array<i32>} : memref<5x512xf32, #tpu.memory_space<vmem>>, vector<16xf32>,
    tpu.vector_store %arg7[%swap3A_472, %swap3A_473], %gather3A_470 {strides = array<i32>} : memref<5x512xf32, #tpu.memory_space<vmem>>, vector<16xf32>,
    %broadcast_in_dim3A_475 = arith.constant 4 : i32
    %broadcast_in_dim3A_476 = vector.broadcast %broadcast_in_dim3A_475 : i32 to vector<16xi32>
    %gather3A_477 = tpu.vector_load_idx %arg5[%broadcast_in_dim3A_476, %get3A_446] : memref<5x1024xf32, #tpu.memory_space<vmem>>[vector<16xi32>, vector<16xi32>], vector<16xf32>,
    %swap3A_478 = arith.constant 4 : i32
    %swap3A_479 = arith.index_cast %swap3A_478 : i32 to index
    %swap3A_480 = arith.constant 192 : index
    %swap3A_481 = tpu.vector_load %arg7[%swap3A_479, %swap3A_480] {strides = array<i32>} : memref<5x512xf32, #tpu.memory_space<vmem>>, vector<16xf32>,
    tpu.vector_store %arg7[%swap3A_479, %swap3A_480], %gather3A_477 {strides = array<i32>} : memref<5x512xf32, #tpu.memory_space<vmem>>, vector<16xf32>,
    %get3A_482 = arith.constant 208 : index
    %get3A_483 = tpu.vector_load %arg6[%get3A_482] {strides = array<i32>} : memref<512xi32, #tpu.memory_space<vmem>>, vector<16xi32>,
    %broadcast_in_dim3A_484 = arith.constant 0 : i32
    %broadcast_in_dim3A_485 = vector.broadcast %broadcast_in_dim3A_484 : i32 to vector<16xi32>
    %gather3A_486 = tpu.vector_load_idx %arg5[%broadcast_in_dim3A_485, %get3A_483] : memref<5x1024xf32, #tpu.memory_space<vmem>>[vector<16xi32>, vector<16xi32>], vector<16xf32>,
    %swap3A_487 = arith.constant 0 : i32
    %swap3A_488 = arith.index_cast %swap3A_487 : i32 to index
    %swap3A_489 = arith.constant 208 : index
    %swap3A_490 = tpu.vector_load %arg7[%swap3A_488, %swap3A_489] {strides = array<i32>} : memref<5x512xf32, #tpu.memory_space<vmem>>, vector<16xf32>,
    tpu.vector_store %arg7[%swap3A_488, %swap3A_489], %gather3A_486 {strides = array<i32>} : memref<5x512xf32, #tpu.memory_space<vmem>>, vector<16xf32>,
    %broadcast_in_dim3A_491 = arith.constant 1 : i32
    %broadcast_in_dim3A_492 = vector.broadcast %broadcast_in_dim3A_491 : i32 to vector<16xi32>
    %gather3A_493 = tpu.vector_load_idx %arg5[%broadcast_in_dim3A_492, %get3A_483] : memref<5x1024xf32, #tpu.memory_space<vmem>>[vector<16xi32>, vector<16xi32>], vector<16xf32>,
    %swap3A_494 = arith.constant 1 : i32
    %swap3A_495 = arith.index_cast %swap3A_494 : i32 to index
    %swap3A_496 = arith.constant 208 : index
    %swap3A_497 = tpu.vector_load %arg7[%swap3A_495, %swap3A_496] {strides = array<i32>} : memref<5x512xf32, #tpu.memory_space<vmem>>, vector<16xf32>,
    tpu.vector_store %arg7[%swap3A_495, %swap3A_496], %gather3A_493 {strides = array<i32>} : memref<5x512xf32, #tpu.memory_space<vmem>>, vector<16xf32>,
    %broadcast_in_dim3A_498 = arith.constant 2 : i32
    %broadcast_in_dim3A_499 = vector.broadcast %broadcast_in_dim3A_498 : i32 to vector<16xi32>
    %gather3A_500 = tpu.vector_load_idx %arg5[%broadcast_in_dim3A_499, %get3A_483] : memref<5x1024xf32, #tpu.memory_space<vmem>>[vector<16xi32>, vector<16xi32>], vector<16xf32>,
    %swap3A_501 = arith.constant 2 : i32
    %swap3A_502 = arith.index_cast %swap3A_501 : i32 to index
    %swap3A_503 = arith.constant 208 : index
    %swap3A_504 = tpu.vector_load %arg7[%swap3A_502, %swap3A_503] {strides = array<i32>} : memref<5x512xf32, #tpu.memory_space<vmem>>, vector<16xf32>,
    tpu.vector_store %arg7[%swap3A_502, %swap3A_503], %gather3A_500 {strides = array<i32>} : memref<5x512xf32, #tpu.memory_space<vmem>>, vector<16xf32>,
    %broadcast_in_dim3A_505 = arith.constant 3 : i32
    %broadcast_in_dim3A_506 = vector.broadcast %broadcast_in_dim3A_505 : i32 to vector<16xi32>
    %gather3A_507 = tpu.vector_load_idx %arg5[%broadcast_in_dim3A_506, %get3A_483] : memref<5x1024xf32, #tpu.memory_space<vmem>>[vector<16xi32>, vector<16xi32>], vector<16xf32>,
    %swap3A_508 = arith.constant 3 : i32
    %swap3A_509 = arith.index_cast %swap3A_508 : i32 to index
    %swap3A_510 = arith.constant 208 : index
    %swap3A_511 = tpu.vector_load %arg7[%swap3A_509, %swap3A_510] {strides = array<i32>} : memref<5x512xf32, #tpu.memory_space<vmem>>, vector<16xf32>,
    tpu.vector_store %arg7[%swap3A_509, %swap3A_510], %gather3A_507 {strides = array<i32>} : memref<5x512xf32, #tpu.memory_space<vmem>>, vector<16xf32>,
    %broadcast_in_dim3A_512 = arith.constant 4 : i32
    %broadcast_in_dim3A_513 = vector.broadcast %broadcast_in_dim3A_512 : i32 to vector<16xi32>
    %gather3A_514 = tpu.vector_load_idx %arg5[%broadcast_in_dim3A_513, %get3A_483] : memref<5x1024xf32, #tpu.memory_space<vmem>>[vector<16xi32>, vector<16xi32>], vector<16xf32>,
    %swap3A_515 = arith.constant 4 : i32
    %swap3A_516 = arith.index_cast %swap3A_515 : i32 to index
    %swap3A_517 = arith.constant 208 : index
    %swap3A_518 = tpu.vector_load %arg7[%swap3A_516, %swap3A_517] {strides = array<i32>} : memref<5x512xf32, #tpu.memory_space<vmem>>, vector<16xf32>,
    tpu.vector_store %arg7[%swap3A_516, %swap3A_517], %gather3A_514 {strides = array<i32>} : memref<5x512xf32, #tpu.memory_space<vmem>>, vector<16xf32>,
    %get3A_519 = arith.constant 224 : index
    %get3A_520 = tpu.vector_load %arg6[%get3A_519] {strides = array<i32>} : memref<512xi32, #tpu.memory_space<vmem>>, vector<16xi32>,
    %broadcast_in_dim3A_521 = arith.constant 0 : i32
    %broadcast_in_dim3A_522 = vector.broadcast %broadcast_in_dim3A_521 : i32 to vector<16xi32>
    %gather3A_523 = tpu.vector_load_idx %arg5[%broadcast_in_dim3A_522, %get3A_520] : memref<5x1024xf32, #tpu.memory_space<vmem>>[vector<16xi32>, vector<16xi32>], vector<16xf32>,
    %swap3A_524 = arith.constant 0 : i32
    %swap3A_525 = arith.index_cast %swap3A_524 : i32 to index
    %swap3A_526 = arith.constant 224 : index
    %swap3A_527 = tpu.vector_load %arg7[%swap3A_525, %swap3A_526] {strides = array<i32>} : memref<5x512xf32, #tpu.memory_space<vmem>>, vector<16xf32>,
    tpu.vector_store %arg7[%swap3A_525, %swap3A_526], %gather3A_523 {strides = array<i32>} : memref<5x512xf32, #tpu.memory_space<vmem>>, vector<16xf32>,
    %broadcast_in_dim3A_528 = arith.constant 1 : i32
    %broadcast_in_dim3A_529 = vector.broadcast %broadcast_in_dim3A_528 : i32 to vector<16xi32>
    %gather3A_530 = tpu.vector_load_idx %arg5[%broadcast_in_dim3A_529, %get3A_520] : memref<5x1024xf32, #tpu.memory_space<vmem>>[vector<16xi32>, vector<16xi32>], vector<16xf32>,
    %swap3A_531 = arith.constant 1 : i32
    %swap3A_532 = arith.index_cast %swap3A_531 : i32 to index
    %swap3A_533 = arith.constant 224 : index
    %swap3A_534 = tpu.vector_load %arg7[%swap3A_532, %swap3A_533] {strides = array<i32>} : memref<5x512xf32, #tpu.memory_space<vmem>>, vector<16xf32>,
    tpu.vector_store %arg7[%swap3A_532, %swap3A_533], %gather3A_530 {strides = array<i32>} : memref<5x512xf32, #tpu.memory_space<vmem>>, vector<16xf32>,
    %broadcast_in_dim3A_535 = arith.constant 2 : i32
    %broadcast_in_dim3A_536 = vector.broadcast %broadcast_in_dim3A_535 : i32 to vector<16xi32>
    %gather3A_537 = tpu.vector_load_idx %arg5[%broadcast_in_dim3A_536, %get3A_520] : memref<5x1024xf32, #tpu.memory_space<vmem>>[vector<16xi32>, vector<16xi32>], vector<16xf32>,
    %swap3A_538 = arith.constant 2 : i32
    %swap3A_539 = arith.index_cast %swap3A_538 : i32 to index
    %swap3A_540 = arith.constant 224 : index
    %swap3A_541 = tpu.vector_load %arg7[%swap3A_539, %swap3A_540] {strides = array<i32>} : memref<5x512xf32, #tpu.memory_space<vmem>>, vector<16xf32>,
    tpu.vector_store %arg7[%swap3A_539, %swap3A_540], %gather3A_537 {strides = array<i32>} : memref<5x512xf32, #tpu.memory_space<vmem>>, vector<16xf32>,
    %broadcast_in_dim3A_542 = arith.constant 3 : i32
    %broadcast_in_dim3A_543 = vector.broadcast %broadcast_in_dim3A_542 : i32 to vector<16xi32>
    %gather3A_544 = tpu.vector_load_idx %arg5[%broadcast_in_dim3A_543, %get3A_520] : memref<5x1024xf32, #tpu.memory_space<vmem>>[vector<16xi32>, vector<16xi32>], vector<16xf32>,
    %swap3A_545 = arith.constant 3 : i32
    %swap3A_546 = arith.index_cast %swap3A_545 : i32 to index
    %swap3A_547 = arith.constant 224 : index
    %swap3A_548 = tpu.vector_load %arg7[%swap3A_546, %swap3A_547] {strides = array<i32>} : memref<5x512xf32, #tpu.memory_space<vmem>>, vector<16xf32>,
    tpu.vector_store %arg7[%swap3A_546, %swap3A_547], %gather3A_544 {strides = array<i32>} : memref<5x512xf32, #tpu.memory_space<vmem>>, vector<16xf32>,
    %broadcast_in_dim3A_549 = arith.constant 4 : i32
    %broadcast_in_dim3A_550 = vector.broadcast %broadcast_in_dim3A_549 : i32 to vector<16xi32>
    %gather3A_551 = tpu.vector_load_idx %arg5[%broadcast_in_dim3A_550, %get3A_520] : memref<5x1024xf32, #tpu.memory_space<vmem>>[vector<16xi32>, vector<16xi32>], vector<16xf32>,
    %swap3A_552 = arith.constant 4 : i32
    %swap3A_553 = arith.index_cast %swap3A_552 : i32 to index
    %swap3A_554 = arith.constant 224 : index
    %swap3A_555 = tpu.vector_load %arg7[%swap3A_553, %swap3A_554] {strides = array<i32>} : memref<5x512xf32, #tpu.memory_space<vmem>>, vector<16xf32>,
    tpu.vector_store %arg7[%swap3A_553, %swap3A_554], %gather3A_551 {strides = array<i32>} : memref<5x512xf32, #tpu.memory_space<vmem>>, vector<16xf32>,
    %get3A_556 = arith.constant 240 : index
    %get3A_557 = tpu.vector_load %arg6[%get3A_556] {strides = array<i32>} : memref<512xi32, #tpu.memory_space<vmem>>, vector<16xi32>,
    %broadcast_in_dim3A_558 = arith.constant 0 : i32
    %broadcast_in_dim3A_559 = vector.broadcast %broadcast_in_dim3A_558 : i32 to vector<16xi32>
    %gather3A_560 = tpu.vector_load_idx %arg5[%broadcast_in_dim3A_559, %get3A_557] : memref<5x1024xf32, #tpu.memory_space<vmem>>[vector<16xi32>, vector<16xi32>], vector<16xf32>,
    %swap3A_561 = arith.constant 0 : i32
    %swap3A_562 = arith.index_cast %swap3A_561 : i32 to index
    %swap3A_563 = arith.constant 240 : index
    %swap3A_564 = tpu.vector_load %arg7[%swap3A_562, %swap3A_563] {strides = array<i32>} : memref<5x512xf32, #tpu.memory_space<vmem>>, vector<16xf32>,
    tpu.vector_store %arg7[%swap3A_562, %swap3A_563], %gather3A_560 {strides = array<i32>} : memref<5x512xf32, #tpu.memory_space<vmem>>, vector<16xf32>,
    %broadcast_in_dim3A_565 = arith.constant 1 : i32
    %broadcast_in_dim3A_566 = vector.broadcast %broadcast_in_dim3A_565 : i32 to vector<16xi32>
    %gather3A_567 = tpu.vector_load_idx %arg5[%broadcast_in_dim3A_566, %get3A_557] : memref<5x1024xf32, #tpu.memory_space<vmem>>[vector<16xi32>, vector<16xi32>], vector<16xf32>,
    %swap3A_568 = arith.constant 1 : i32
    %swap3A_569 = arith.index_cast %swap3A_568 : i32 to index
    %swap3A_570 = arith.constant 240 : index
    %swap3A_571 = tpu.vector_load %arg7[%swap3A_569, %swap3A_570] {strides = array<i32>} : memref<5x512xf32, #tpu.memory_space<vmem>>, vector<16xf32>,
    tpu.vector_store %arg7[%swap3A_569, %swap3A_570], %gather3A_567 {strides = array<i32>} : memref<5x512xf32, #tpu.memory_space<vmem>>, vector<16xf32>,
    %broadcast_in_dim3A_572 = arith.constant 2 : i32
    %broadcast_in_dim3A_573 = vector.broadcast %broadcast_in_dim3A_572 : i32 to vector<16xi32>
    %gather3A_574 = tpu.vector_load_idx %arg5[%broadcast_in_dim3A_573, %get3A_557] : memref<5x1024xf32, #tpu.memory_space<vmem>>[vector<16xi32>, vector<16xi32>], vector<16xf32>,
    %swap3A_575 = arith.constant 2 : i32
    %swap3A_576 = arith.index_cast %swap3A_575 : i32 to index
    %swap3A_577 = arith.constant 240 : index
    %swap3A_578 = tpu.vector_load %arg7[%swap3A_576, %swap3A_577] {strides = array<i32>} : memref<5x512xf32, #tpu.memory_space<vmem>>, vector<16xf32>,
    tpu.vector_store %arg7[%swap3A_576, %swap3A_577], %gather3A_574 {strides = array<i32>} : memref<5x512xf32, #tpu.memory_space<vmem>>, vector<16xf32>,
    %broadcast_in_dim3A_579 = arith.constant 3 : i32
    %broadcast_in_dim3A_580 = vector.broadcast %broadcast_in_dim3A_579 : i32 to vector<16xi32>
    %gather3A_581 = tpu.vector_load_idx %arg5[%broadcast_in_dim3A_580, %get3A_557] : memref<5x1024xf32, #tpu.memory_space<vmem>>[vector<16xi32>, vector<16xi32>], vector<16xf32>,
    %swap3A_582 = arith.constant 3 : i32
    %swap3A_583 = arith.index_cast %swap3A_582 : i32 to index
    %swap3A_584 = arith.constant 240 : index
    %swap3A_585 = tpu.vector_load %arg7[%swap3A_583, %swap3A_584] {strides = array<i32>} : memref<5x512xf32, #tpu.memory_space<vmem>>, vector<16xf32>,
    tpu.vector_store %arg7[%swap3A_583, %swap3A_584], %gather3A_581 {strides = array<i32>} : memref<5x512xf32, #tpu.memory_space<vmem>>, vector<16xf32>,
    %broadcast_in_dim3A_586 = arith.constant 4 : i32
    %broadcast_in_dim3A_587 = vector.broadcast %broadcast_in_dim3A_586 : i32 to vector<16xi32>
    %gather3A_588 = tpu.vector_load_idx %arg5[%broadcast_in_dim3A_587, %get3A_557] : memref<5x1024xf32, #tpu.memory_space<vmem>>[vector<16xi32>, vector<16xi32>], vector<16xf32>,
    %swap3A_589 = arith.constant 4 : i32
    %swap3A_590 = arith.index_cast %swap3A_589 : i32 to index
    %swap3A_591 = arith.constant 240 : index
    %swap3A_592 = tpu.vector_load %arg7[%swap3A_590, %swap3A_591] {strides = array<i32>} : memref<5x512xf32, #tpu.memory_space<vmem>>, vector<16xf32>,
    tpu.vector_store %arg7[%swap3A_590, %swap3A_591], %gather3A_588 {strides = array<i32>} : memref<5x512xf32, #tpu.memory_space<vmem>>, vector<16xf32>,
    %get3A_593 = arith.constant 256 : index
    %get3A_594 = tpu.vector_load %arg6[%get3A_593] {strides = array<i32>} : memref<512xi32, #tpu.memory_space<vmem>>, vector<16xi32>,
    %broadcast_in_dim3A_595 = arith.constant 0 : i32
    %broadcast_in_dim3A_596 = vector.broadcast %broadcast_in_dim3A_595 : i32 to vector<16xi32>
    %gather3A_597 = tpu.vector_load_idx %arg5[%broadcast_in_dim3A_596, %get3A_594] : memref<5x1024xf32, #tpu.memory_space<vmem>>[vector<16xi32>, vector<16xi32>], vector<16xf32>,
    %swap3A_598 = arith.constant 0 : i32
    %swap3A_599 = arith.index_cast %swap3A_598 : i32 to index
    %swap3A_600 = arith.constant 256 : index
    %swap3A_601 = tpu.vector_load %arg7[%swap3A_599, %swap3A_600] {strides = array<i32>} : memref<5x512xf32, #tpu.memory_space<vmem>>, vector<16xf32>,
    tpu.vector_store %arg7[%swap3A_599, %swap3A_600], %gather3A_597 {strides = array<i32>} : memref<5x512xf32, #tpu.memory_space<vmem>>, vector<16xf32>,
    %broadcast_in_dim3A_602 = arith.constant 1 : i32
    %broadcast_in_dim3A_603 = vector.broadcast %broadcast_in_dim3A_602 : i32 to vector<16xi32>
    %gather3A_604 = tpu.vector_load_idx %arg5[%broadcast_in_dim3A_603, %get3A_594] : memref<5x1024xf32, #tpu.memory_space<vmem>>[vector<16xi32>, vector<16xi32>], vector<16xf32>,
    %swap3A_605 = arith.constant 1 : i32
    %swap3A_606 = arith.index_cast %swap3A_605 : i32 to index
    %swap3A_607 = arith.constant 256 : index
    %swap3A_608 = tpu.vector_load %arg7[%swap3A_606, %swap3A_607] {strides = array<i32>} : memref<5x512xf32, #tpu.memory_space<vmem>>, vector<16xf32>,
    tpu.vector_store %arg7[%swap3A_606, %swap3A_607], %gather3A_604 {strides = array<i32>} : memref<5x512xf32, #tpu.memory_space<vmem>>, vector<16xf32>,
    %broadcast_in_dim3A_609 = arith.constant 2 : i32
    %broadcast_in_dim3A_610 = vector.broadcast %broadcast_in_dim3A_609 : i32 to vector<16xi32>
    %gather3A_611 = tpu.vector_load_idx %arg5[%broadcast_in_dim3A_610, %get3A_594] : memref<5x1024xf32, #tpu.memory_space<vmem>>[vector<16xi32>, vector<16xi32>], vector<16xf32>,
    %swap3A_612 = arith.constant 2 : i32
    %swap3A_613 = arith.index_cast %swap3A_612 : i32 to index
    %swap3A_614 = arith.constant 256 : index
    %swap3A_615 = tpu.vector_load %arg7[%swap3A_613, %swap3A_614] {strides = array<i32>} : memref<5x512xf32, #tpu.memory_space<vmem>>, vector<16xf32>,
    tpu.vector_store %arg7[%swap3A_613, %swap3A_614], %gather3A_611 {strides = array<i32>} : memref<5x512xf32, #tpu.memory_space<vmem>>, vector<16xf32>,
    %broadcast_in_dim3A_616 = arith.constant 3 : i32
    %broadcast_in_dim3A_617 = vector.broadcast %broadcast_in_dim3A_616 : i32 to vector<16xi32>
    %gather3A_618 = tpu.vector_load_idx %arg5[%broadcast_in_dim3A_617, %get3A_594] : memref<5x1024xf32, #tpu.memory_space<vmem>>[vector<16xi32>, vector<16xi32>], vector<16xf32>,
    %swap3A_619 = arith.constant 3 : i32
    %swap3A_620 = arith.index_cast %swap3A_619 : i32 to index
    %swap3A_621 = arith.constant 256 : index
    %swap3A_622 = tpu.vector_load %arg7[%swap3A_620, %swap3A_621] {strides = array<i32>} : memref<5x512xf32, #tpu.memory_space<vmem>>, vector<16xf32>,
    tpu.vector_store %arg7[%swap3A_620, %swap3A_621], %gather3A_618 {strides = array<i32>} : memref<5x512xf32, #tpu.memory_space<vmem>>, vector<16xf32>,
    %broadcast_in_dim3A_623 = arith.constant 4 : i32
    %broadcast_in_dim3A_624 = vector.broadcast %broadcast_in_dim3A_623 : i32 to vector<16xi32>
    %gather3A_625 = tpu.vector_load_idx %arg5[%broadcast_in_dim3A_624, %get3A_594] : memref<5x1024xf32, #tpu.memory_space<vmem>>[vector<16xi32>, vector<16xi32>], vector<16xf32>,
    %swap3A_626 = arith.constant 4 : i32
    %swap3A_627 = arith.index_cast %swap3A_626 : i32 to index
    %swap3A_628 = arith.constant 256 : index
    %swap3A_629 = tpu.vector_load %arg7[%swap3A_627, %swap3A_628] {strides = array<i32>} : memref<5x512xf32, #tpu.memory_space<vmem>>, vector<16xf32>,
    tpu.vector_store %arg7[%swap3A_627, %swap3A_628], %gather3A_625 {strides = array<i32>} : memref<5x512xf32, #tpu.memory_space<vmem>>, vector<16xf32>,
    %get3A_630 = arith.constant 272 : index
    %get3A_631 = tpu.vector_load %arg6[%get3A_630] {strides = array<i32>} : memref<512xi32, #tpu.memory_space<vmem>>, vector<16xi32>,
    %broadcast_in_dim3A_632 = arith.constant 0 : i32
    %broadcast_in_dim3A_633 = vector.broadcast %broadcast_in_dim3A_632 : i32 to vector<16xi32>
    %gather3A_634 = tpu.vector_load_idx %arg5[%broadcast_in_dim3A_633, %get3A_631] : memref<5x1024xf32, #tpu.memory_space<vmem>>[vector<16xi32>, vector<16xi32>], vector<16xf32>,
    %swap3A_635 = arith.constant 0 : i32
    %swap3A_636 = arith.index_cast %swap3A_635 : i32 to index
    %swap3A_637 = arith.constant 272 : index
    %swap3A_638 = tpu.vector_load %arg7[%swap3A_636, %swap3A_637] {strides = array<i32>} : memref<5x512xf32, #tpu.memory_space<vmem>>, vector<16xf32>,
    tpu.vector_store %arg7[%swap3A_636, %swap3A_637], %gather3A_634 {strides = array<i32>} : memref<5x512xf32, #tpu.memory_space<vmem>>, vector<16xf32>,
    %broadcast_in_dim3A_639 = arith.constant 1 : i32
    %broadcast_in_dim3A_640 = vector.broadcast %broadcast_in_dim3A_639 : i32 to vector<16xi32>
    %gather3A_641 = tpu.vector_load_idx %arg5[%broadcast_in_dim3A_640, %get3A_631] : memref<5x1024xf32, #tpu.memory_space<vmem>>[vector<16xi32>, vector<16xi32>], vector<16xf32>,
    %swap3A_642 = arith.constant 1 : i32
    %swap3A_643 = arith.index_cast %swap3A_642 : i32 to index
    %swap3A_644 = arith.constant 272 : index
    %swap3A_645 = tpu.vector_load %arg7[%swap3A_643, %swap3A_644] {strides = array<i32>} : memref<5x512xf32, #tpu.memory_space<vmem>>, vector<16xf32>,
    tpu.vector_store %arg7[%swap3A_643, %swap3A_644], %gather3A_641 {strides = array<i32>} : memref<5x512xf32, #tpu.memory_space<vmem>>, vector<16xf32>,
    %broadcast_in_dim3A_646 = arith.constant 2 : i32
    %broadcast_in_dim3A_647 = vector.broadcast %broadcast_in_dim3A_646 : i32 to vector<16xi32>
    %gather3A_648 = tpu.vector_load_idx %arg5[%broadcast_in_dim3A_647, %get3A_631] : memref<5x1024xf32, #tpu.memory_space<vmem>>[vector<16xi32>, vector<16xi32>], vector<16xf32>,
    %swap3A_649 = arith.constant 2 : i32
    %swap3A_650 = arith.index_cast %swap3A_649 : i32 to index
    %swap3A_651 = arith.constant 272 : index
    %swap3A_652 = tpu.vector_load %arg7[%swap3A_650, %swap3A_651] {strides = array<i32>} : memref<5x512xf32, #tpu.memory_space<vmem>>, vector<16xf32>,
    tpu.vector_store %arg7[%swap3A_650, %swap3A_651], %gather3A_648 {strides = array<i32>} : memref<5x512xf32, #tpu.memory_space<vmem>>, vector<16xf32>,
    %broadcast_in_dim3A_653 = arith.constant 3 : i32
    %broadcast_in_dim3A_654 = vector.broadcast %broadcast_in_dim3A_653 : i32 to vector<16xi32>
    %gather3A_655 = tpu.vector_load_idx %arg5[%broadcast_in_dim3A_654, %get3A_631] : memref<5x1024xf32, #tpu.memory_space<vmem>>[vector<16xi32>, vector<16xi32>], vector<16xf32>,
    %swap3A_656 = arith.constant 3 : i32
    %swap3A_657 = arith.index_cast %swap3A_656 : i32 to index
    %swap3A_658 = arith.constant 272 : index
    %swap3A_659 = tpu.vector_load %arg7[%swap3A_657, %swap3A_658] {strides = array<i32>} : memref<5x512xf32, #tpu.memory_space<vmem>>, vector<16xf32>,
    tpu.vector_store %arg7[%swap3A_657, %swap3A_658], %gather3A_655 {strides = array<i32>} : memref<5x512xf32, #tpu.memory_space<vmem>>, vector<16xf32>,
    %broadcast_in_dim3A_660 = arith.constant 4 : i32
    %broadcast_in_dim3A_661 = vector.broadcast %broadcast_in_dim3A_660 : i32 to vector<16xi32>
    %gather3A_662 = tpu.vector_load_idx %arg5[%broadcast_in_dim3A_661, %get3A_631] : memref<5x1024xf32, #tpu.memory_space<vmem>>[vector<16xi32>, vector<16xi32>], vector<16xf32>,
    %swap3A_663 = arith.constant 4 : i32
    %swap3A_664 = arith.index_cast %swap3A_663 : i32 to index
    %swap3A_665 = arith.constant 272 : index
    %swap3A_666 = tpu.vector_load %arg7[%swap3A_664, %swap3A_665] {strides = array<i32>} : memref<5x512xf32, #tpu.memory_space<vmem>>, vector<16xf32>,
    tpu.vector_store %arg7[%swap3A_664, %swap3A_665], %gather3A_662 {strides = array<i32>} : memref<5x512xf32, #tpu.memory_space<vmem>>, vector<16xf32>,
    %get3A_667 = arith.constant 288 : index
    %get3A_668 = tpu.vector_load %arg6[%get3A_667] {strides = array<i32>} : memref<512xi32, #tpu.memory_space<vmem>>, vector<16xi32>,
    %broadcast_in_dim3A_669 = arith.constant 0 : i32
    %broadcast_in_dim3A_670 = vector.broadcast %broadcast_in_dim3A_669 : i32 to vector<16xi32>
    %gather3A_671 = tpu.vector_load_idx %arg5[%broadcast_in_dim3A_670, %get3A_668] : memref<5x1024xf32, #tpu.memory_space<vmem>>[vector<16xi32>, vector<16xi32>], vector<16xf32>,
    %swap3A_672 = arith.constant 0 : i32
    %swap3A_673 = arith.index_cast %swap3A_672 : i32 to index
    %swap3A_674 = arith.constant 288 : index
    %swap3A_675 = tpu.vector_load %arg7[%swap3A_673, %swap3A_674] {strides = array<i32>} : memref<5x512xf32, #tpu.memory_space<vmem>>, vector<16xf32>,
    tpu.vector_store %arg7[%swap3A_673, %swap3A_674], %gather3A_671 {strides = array<i32>} : memref<5x512xf32, #tpu.memory_space<vmem>>, vector<16xf32>,
    %broadcast_in_dim3A_676 = arith.constant 1 : i32
    %broadcast_in_dim3A_677 = vector.broadcast %broadcast_in_dim3A_676 : i32 to vector<16xi32>
    %gather3A_678 = tpu.vector_load_idx %arg5[%broadcast_in_dim3A_677, %get3A_668] : memref<5x1024xf32, #tpu.memory_space<vmem>>[vector<16xi32>, vector<16xi32>], vector<16xf32>,
    %swap3A_679 = arith.constant 1 : i32
    %swap3A_680 = arith.index_cast %swap3A_679 : i32 to index
    %swap3A_681 = arith.constant 288 : index
    %swap3A_682 = tpu.vector_load %arg7[%swap3A_680, %swap3A_681] {strides = array<i32>} : memref<5x512xf32, #tpu.memory_space<vmem>>, vector<16xf32>,
    tpu.vector_store %arg7[%swap3A_680, %swap3A_681], %gather3A_678 {strides = array<i32>} : memref<5x512xf32, #tpu.memory_space<vmem>>, vector<16xf32>,
    %broadcast_in_dim3A_683 = arith.constant 2 : i32
    %broadcast_in_dim3A_684 = vector.broadcast %broadcast_in_dim3A_683 : i32 to vector<16xi32>
    %gather3A_685 = tpu.vector_load_idx %arg5[%broadcast_in_dim3A_684, %get3A_668] : memref<5x1024xf32, #tpu.memory_space<vmem>>[vector<16xi32>, vector<16xi32>], vector<16xf32>,
    %swap3A_686 = arith.constant 2 : i32
    %swap3A_687 = arith.index_cast %swap3A_686 : i32 to index
    %swap3A_688 = arith.constant 288 : index
    %swap3A_689 = tpu.vector_load %arg7[%swap3A_687, %swap3A_688] {strides = array<i32>} : memref<5x512xf32, #tpu.memory_space<vmem>>, vector<16xf32>,
    tpu.vector_store %arg7[%swap3A_687, %swap3A_688], %gather3A_685 {strides = array<i32>} : memref<5x512xf32, #tpu.memory_space<vmem>>, vector<16xf32>,
    %broadcast_in_dim3A_690 = arith.constant 3 : i32
    %broadcast_in_dim3A_691 = vector.broadcast %broadcast_in_dim3A_690 : i32 to vector<16xi32>
    %gather3A_692 = tpu.vector_load_idx %arg5[%broadcast_in_dim3A_691, %get3A_668] : memref<5x1024xf32, #tpu.memory_space<vmem>>[vector<16xi32>, vector<16xi32>], vector<16xf32>,
    %swap3A_693 = arith.constant 3 : i32
    %swap3A_694 = arith.index_cast %swap3A_693 : i32 to index
    %swap3A_695 = arith.constant 288 : index
    %swap3A_696 = tpu.vector_load %arg7[%swap3A_694, %swap3A_695] {strides = array<i32>} : memref<5x512xf32, #tpu.memory_space<vmem>>, vector<16xf32>,
    tpu.vector_store %arg7[%swap3A_694, %swap3A_695], %gather3A_692 {strides = array<i32>} : memref<5x512xf32, #tpu.memory_space<vmem>>, vector<16xf32>,
    %broadcast_in_dim3A_697 = arith.constant 4 : i32
    %broadcast_in_dim3A_698 = vector.broadcast %broadcast_in_dim3A_697 : i32 to vector<16xi32>
    %gather3A_699 = tpu.vector_load_idx %arg5[%broadcast_in_dim3A_698, %get3A_668] : memref<5x1024xf32, #tpu.memory_space<vmem>>[vector<16xi32>, vector<16xi32>], vector<16xf32>,
    %swap3A_700 = arith.constant 4 : i32
    %swap3A_701 = arith.index_cast %swap3A_700 : i32 to index
    %swap3A_702 = arith.constant 288 : index
    %swap3A_703 = tpu.vector_load %arg7[%swap3A_701, %swap3A_702] {strides = array<i32>} : memref<5x512xf32, #tpu.memory_space<vmem>>, vector<16xf32>,
    tpu.vector_store %arg7[%swap3A_701, %swap3A_702], %gather3A_699 {strides = array<i32>} : memref<5x512xf32, #tpu.memory_space<vmem>>, vector<16xf32>,
    %get3A_704 = arith.constant 304 : index
    %get3A_705 = tpu.vector_load %arg6[%get3A_704] {strides = array<i32>} : memref<512xi32, #tpu.memory_space<vmem>>, vector<16xi32>,
    %broadcast_in_dim3A_706 = arith.constant 0 : i32
    %broadcast_in_dim3A_707 = vector.broadcast %broadcast_in_dim3A_706 : i32 to vector<16xi32>
    %gather3A_708 = tpu.vector_load_idx %arg5[%broadcast_in_dim3A_707, %get3A_705] : memref<5x1024xf32, #tpu.memory_space<vmem>>[vector<16xi32>, vector<16xi32>], vector<16xf32>,
    %swap3A_709 = arith.constant 0 : i32
    %swap3A_710 = arith.index_cast %swap3A_709 : i32 to index
    %swap3A_711 = arith.constant 304 : index
    %swap3A_712 = tpu.vector_load %arg7[%swap3A_710, %swap3A_711] {strides = array<i32>} : memref<5x512xf32, #tpu.memory_space<vmem>>, vector<16xf32>,
    tpu.vector_store %arg7[%swap3A_710, %swap3A_711], %gather3A_708 {strides = array<i32>} : memref<5x512xf32, #tpu.memory_space<vmem>>, vector<16xf32>,
    %broadcast_in_dim3A_713 = arith.constant 1 : i32
    %broadcast_in_dim3A_714 = vector.broadcast %broadcast_in_dim3A_713 : i32 to vector<16xi32>
    %gather3A_715 = tpu.vector_load_idx %arg5[%broadcast_in_dim3A_714, %get3A_705] : memref<5x1024xf32, #tpu.memory_space<vmem>>[vector<16xi32>, vector<16xi32>], vector<16xf32>,
    %swap3A_716 = arith.constant 1 : i32
    %swap3A_717 = arith.index_cast %swap3A_716 : i32 to index
    %swap3A_718 = arith.constant 304 : index
    %swap3A_719 = tpu.vector_load %arg7[%swap3A_717, %swap3A_718] {strides = array<i32>} : memref<5x512xf32, #tpu.memory_space<vmem>>, vector<16xf32>,
    tpu.vector_store %arg7[%swap3A_717, %swap3A_718], %gather3A_715 {strides = array<i32>} : memref<5x512xf32, #tpu.memory_space<vmem>>, vector<16xf32>,
    %broadcast_in_dim3A_720 = arith.constant 2 : i32
    %broadcast_in_dim3A_721 = vector.broadcast %broadcast_in_dim3A_720 : i32 to vector<16xi32>
    %gather3A_722 = tpu.vector_load_idx %arg5[%broadcast_in_dim3A_721, %get3A_705] : memref<5x1024xf32, #tpu.memory_space<vmem>>[vector<16xi32>, vector<16xi32>], vector<16xf32>,
    %swap3A_723 = arith.constant 2 : i32
    %swap3A_724 = arith.index_cast %swap3A_723 : i32 to index
    %swap3A_725 = arith.constant 304 : index
    %swap3A_726 = tpu.vector_load %arg7[%swap3A_724, %swap3A_725] {strides = array<i32>} : memref<5x512xf32, #tpu.memory_space<vmem>>, vector<16xf32>,
    tpu.vector_store %arg7[%swap3A_724, %swap3A_725], %gather3A_722 {strides = array<i32>} : memref<5x512xf32, #tpu.memory_space<vmem>>, vector<16xf32>,
    %broadcast_in_dim3A_727 = arith.constant 3 : i32
    %broadcast_in_dim3A_728 = vector.broadcast %broadcast_in_dim3A_727 : i32 to vector<16xi32>
    %gather3A_729 = tpu.vector_load_idx %arg5[%broadcast_in_dim3A_728, %get3A_705] : memref<5x1024xf32, #tpu.memory_space<vmem>>[vector<16xi32>, vector<16xi32>], vector<16xf32>,
    %swap3A_730 = arith.constant 3 : i32
    %swap3A_731 = arith.index_cast %swap3A_730 : i32 to index
    %swap3A_732 = arith.constant 304 : index
    %swap3A_733 = tpu.vector_load %arg7[%swap3A_731, %swap3A_732] {strides = array<i32>} : memref<5x512xf32, #tpu.memory_space<vmem>>, vector<16xf32>,
    tpu.vector_store %arg7[%swap3A_731, %swap3A_732], %gather3A_729 {strides = array<i32>} : memref<5x512xf32, #tpu.memory_space<vmem>>, vector<16xf32>,
    %broadcast_in_dim3A_734 = arith.constant 4 : i32
    %broadcast_in_dim3A_735 = vector.broadcast %broadcast_in_dim3A_734 : i32 to vector<16xi32>
    %gather3A_736 = tpu.vector_load_idx %arg5[%broadcast_in_dim3A_735, %get3A_705] : memref<5x1024xf32, #tpu.memory_space<vmem>>[vector<16xi32>, vector<16xi32>], vector<16xf32>,
    %swap3A_737 = arith.constant 4 : i32
    %swap3A_738 = arith.index_cast %swap3A_737 : i32 to index
    %swap3A_739 = arith.constant 304 : index
    %swap3A_740 = tpu.vector_load %arg7[%swap3A_738, %swap3A_739] {strides = array<i32>} : memref<5x512xf32, #tpu.memory_space<vmem>>, vector<16xf32>,
    tpu.vector_store %arg7[%swap3A_738, %swap3A_739], %gather3A_736 {strides = array<i32>} : memref<5x512xf32, #tpu.memory_space<vmem>>, vector<16xf32>,
    %get3A_741 = arith.constant 320 : index
    %get3A_742 = tpu.vector_load %arg6[%get3A_741] {strides = array<i32>} : memref<512xi32, #tpu.memory_space<vmem>>, vector<16xi32>,
    %broadcast_in_dim3A_743 = arith.constant 0 : i32
    %broadcast_in_dim3A_744 = vector.broadcast %broadcast_in_dim3A_743 : i32 to vector<16xi32>
    %gather3A_745 = tpu.vector_load_idx %arg5[%broadcast_in_dim3A_744, %get3A_742] : memref<5x1024xf32, #tpu.memory_space<vmem>>[vector<16xi32>, vector<16xi32>], vector<16xf32>,
    %swap3A_746 = arith.constant 0 : i32
    %swap3A_747 = arith.index_cast %swap3A_746 : i32 to index
    %swap3A_748 = arith.constant 320 : index
    %swap3A_749 = tpu.vector_load %arg7[%swap3A_747, %swap3A_748] {strides = array<i32>} : memref<5x512xf32, #tpu.memory_space<vmem>>, vector<16xf32>,
    tpu.vector_store %arg7[%swap3A_747, %swap3A_748], %gather3A_745 {strides = array<i32>} : memref<5x512xf32, #tpu.memory_space<vmem>>, vector<16xf32>,
    %broadcast_in_dim3A_750 = arith.constant 1 : i32
    %broadcast_in_dim3A_751 = vector.broadcast %broadcast_in_dim3A_750 : i32 to vector<16xi32>
    %gather3A_752 = tpu.vector_load_idx %arg5[%broadcast_in_dim3A_751, %get3A_742] : memref<5x1024xf32, #tpu.memory_space<vmem>>[vector<16xi32>, vector<16xi32>], vector<16xf32>,
    %swap3A_753 = arith.constant 1 : i32
    %swap3A_754 = arith.index_cast %swap3A_753 : i32 to index
    %swap3A_755 = arith.constant 320 : index
    %swap3A_756 = tpu.vector_load %arg7[%swap3A_754, %swap3A_755] {strides = array<i32>} : memref<5x512xf32, #tpu.memory_space<vmem>>, vector<16xf32>,
    tpu.vector_store %arg7[%swap3A_754, %swap3A_755], %gather3A_752 {strides = array<i32>} : memref<5x512xf32, #tpu.memory_space<vmem>>, vector<16xf32>,
    %broadcast_in_dim3A_757 = arith.constant 2 : i32
    %broadcast_in_dim3A_758 = vector.broadcast %broadcast_in_dim3A_757 : i32 to vector<16xi32>
    %gather3A_759 = tpu.vector_load_idx %arg5[%broadcast_in_dim3A_758, %get3A_742] : memref<5x1024xf32, #tpu.memory_space<vmem>>[vector<16xi32>, vector<16xi32>], vector<16xf32>,
    %swap3A_760 = arith.constant 2 : i32
    %swap3A_761 = arith.index_cast %swap3A_760 : i32 to index
    %swap3A_762 = arith.constant 320 : index
    %swap3A_763 = tpu.vector_load %arg7[%swap3A_761, %swap3A_762] {strides = array<i32>} : memref<5x512xf32, #tpu.memory_space<vmem>>, vector<16xf32>,
    tpu.vector_store %arg7[%swap3A_761, %swap3A_762], %gather3A_759 {strides = array<i32>} : memref<5x512xf32, #tpu.memory_space<vmem>>, vector<16xf32>,
    %broadcast_in_dim3A_764 = arith.constant 3 : i32
    %broadcast_in_dim3A_765 = vector.broadcast %broadcast_in_dim3A_764 : i32 to vector<16xi32>
    %gather3A_766 = tpu.vector_load_idx %arg5[%broadcast_in_dim3A_765, %get3A_742] : memref<5x1024xf32, #tpu.memory_space<vmem>>[vector<16xi32>, vector<16xi32>], vector<16xf32>,
    %swap3A_767 = arith.constant 3 : i32
    %swap3A_768 = arith.index_cast %swap3A_767 : i32 to index
    %swap3A_769 = arith.constant 320 : index
    %swap3A_770 = tpu.vector_load %arg7[%swap3A_768, %swap3A_769] {strides = array<i32>} : memref<5x512xf32, #tpu.memory_space<vmem>>, vector<16xf32>,
    tpu.vector_store %arg7[%swap3A_768, %swap3A_769], %gather3A_766 {strides = array<i32>} : memref<5x512xf32, #tpu.memory_space<vmem>>, vector<16xf32>,
    %broadcast_in_dim3A_771 = arith.constant 4 : i32
    %broadcast_in_dim3A_772 = vector.broadcast %broadcast_in_dim3A_771 : i32 to vector<16xi32>
    %gather3A_773 = tpu.vector_load_idx %arg5[%broadcast_in_dim3A_772, %get3A_742] : memref<5x1024xf32, #tpu.memory_space<vmem>>[vector<16xi32>, vector<16xi32>], vector<16xf32>,
    %swap3A_774 = arith.constant 4 : i32
    %swap3A_775 = arith.index_cast %swap3A_774 : i32 to index
    %swap3A_776 = arith.constant 320 : index
    %swap3A_777 = tpu.vector_load %arg7[%swap3A_775, %swap3A_776] {strides = array<i32>} : memref<5x512xf32, #tpu.memory_space<vmem>>, vector<16xf32>,
    tpu.vector_store %arg7[%swap3A_775, %swap3A_776], %gather3A_773 {strides = array<i32>} : memref<5x512xf32, #tpu.memory_space<vmem>>, vector<16xf32>,
    %get3A_778 = arith.constant 336 : index
    %get3A_779 = tpu.vector_load %arg6[%get3A_778] {strides = array<i32>} : memref<512xi32, #tpu.memory_space<vmem>>, vector<16xi32>,
    %broadcast_in_dim3A_780 = arith.constant 0 : i32
    %broadcast_in_dim3A_781 = vector.broadcast %broadcast_in_dim3A_780 : i32 to vector<16xi32>
    %gather3A_782 = tpu.vector_load_idx %arg5[%broadcast_in_dim3A_781, %get3A_779] : memref<5x1024xf32, #tpu.memory_space<vmem>>[vector<16xi32>, vector<16xi32>], vector<16xf32>,
    %swap3A_783 = arith.constant 0 : i32
    %swap3A_784 = arith.index_cast %swap3A_783 : i32 to index
    %swap3A_785 = arith.constant 336 : index
    %swap3A_786 = tpu.vector_load %arg7[%swap3A_784, %swap3A_785] {strides = array<i32>} : memref<5x512xf32, #tpu.memory_space<vmem>>, vector<16xf32>,
    tpu.vector_store %arg7[%swap3A_784, %swap3A_785], %gather3A_782 {strides = array<i32>} : memref<5x512xf32, #tpu.memory_space<vmem>>, vector<16xf32>,
    %broadcast_in_dim3A_787 = arith.constant 1 : i32
    %broadcast_in_dim3A_788 = vector.broadcast %broadcast_in_dim3A_787 : i32 to vector<16xi32>
    %gather3A_789 = tpu.vector_load_idx %arg5[%broadcast_in_dim3A_788, %get3A_779] : memref<5x1024xf32, #tpu.memory_space<vmem>>[vector<16xi32>, vector<16xi32>], vector<16xf32>,
    %swap3A_790 = arith.constant 1 : i32
    %swap3A_791 = arith.index_cast %swap3A_790 : i32 to index
    %swap3A_792 = arith.constant 336 : index
    %swap3A_793 = tpu.vector_load %arg7[%swap3A_791, %swap3A_792] {strides = array<i32>} : memref<5x512xf32, #tpu.memory_space<vmem>>, vector<16xf32>,
    tpu.vector_store %arg7[%swap3A_791, %swap3A_792], %gather3A_789 {strides = array<i32>} : memref<5x512xf32, #tpu.memory_space<vmem>>, vector<16xf32>,
    %broadcast_in_dim3A_794 = arith.constant 2 : i32
    %broadcast_in_dim3A_795 = vector.broadcast %broadcast_in_dim3A_794 : i32 to vector<16xi32>
    %gather3A_796 = tpu.vector_load_idx %arg5[%broadcast_in_dim3A_795, %get3A_779] : memref<5x1024xf32, #tpu.memory_space<vmem>>[vector<16xi32>, vector<16xi32>], vector<16xf32>,
    %swap3A_797 = arith.constant 2 : i32
    %swap3A_798 = arith.index_cast %swap3A_797 : i32 to index
    %swap3A_799 = arith.constant 336 : index
    %swap3A_800 = tpu.vector_load %arg7[%swap3A_798, %swap3A_799] {strides = array<i32>} : memref<5x512xf32, #tpu.memory_space<vmem>>, vector<16xf32>,
    tpu.vector_store %arg7[%swap3A_798, %swap3A_799], %gather3A_796 {strides = array<i32>} : memref<5x512xf32, #tpu.memory_space<vmem>>, vector<16xf32>,
    %broadcast_in_dim3A_801 = arith.constant 3 : i32
    %broadcast_in_dim3A_802 = vector.broadcast %broadcast_in_dim3A_801 : i32 to vector<16xi32>
    %gather3A_803 = tpu.vector_load_idx %arg5[%broadcast_in_dim3A_802, %get3A_779] : memref<5x1024xf32, #tpu.memory_space<vmem>>[vector<16xi32>, vector<16xi32>], vector<16xf32>,
    %swap3A_804 = arith.constant 3 : i32
    %swap3A_805 = arith.index_cast %swap3A_804 : i32 to index
    %swap3A_806 = arith.constant 336 : index
    %swap3A_807 = tpu.vector_load %arg7[%swap3A_805, %swap3A_806] {strides = array<i32>} : memref<5x512xf32, #tpu.memory_space<vmem>>, vector<16xf32>,
    tpu.vector_store %arg7[%swap3A_805, %swap3A_806], %gather3A_803 {strides = array<i32>} : memref<5x512xf32, #tpu.memory_space<vmem>>, vector<16xf32>,
    %broadcast_in_dim3A_808 = arith.constant 4 : i32
    %broadcast_in_dim3A_809 = vector.broadcast %broadcast_in_dim3A_808 : i32 to vector<16xi32>
    %gather3A_810 = tpu.vector_load_idx %arg5[%broadcast_in_dim3A_809, %get3A_779] : memref<5x1024xf32, #tpu.memory_space<vmem>>[vector<16xi32>, vector<16xi32>], vector<16xf32>,
    %swap3A_811 = arith.constant 4 : i32
    %swap3A_812 = arith.index_cast %swap3A_811 : i32 to index
    %swap3A_813 = arith.constant 336 : index
    %swap3A_814 = tpu.vector_load %arg7[%swap3A_812, %swap3A_813] {strides = array<i32>} : memref<5x512xf32, #tpu.memory_space<vmem>>, vector<16xf32>,
    tpu.vector_store %arg7[%swap3A_812, %swap3A_813], %gather3A_810 {strides = array<i32>} : memref<5x512xf32, #tpu.memory_space<vmem>>, vector<16xf32>,
    %get3A_815 = arith.constant 352 : index
    %get3A_816 = tpu.vector_load %arg6[%get3A_815] {strides = array<i32>} : memref<512xi32, #tpu.memory_space<vmem>>, vector<16xi32>,
    %broadcast_in_dim3A_817 = arith.constant 0 : i32
    %broadcast_in_dim3A_818 = vector.broadcast %broadcast_in_dim3A_817 : i32 to vector<16xi32>
    %gather3A_819 = tpu.vector_load_idx %arg5[%broadcast_in_dim3A_818, %get3A_816] : memref<5x1024xf32, #tpu.memory_space<vmem>>[vector<16xi32>, vector<16xi32>], vector<16xf32>,
    %swap3A_820 = arith.constant 0 : i32
    %swap3A_821 = arith.index_cast %swap3A_820 : i32 to index
    %swap3A_822 = arith.constant 352 : index
    %swap3A_823 = tpu.vector_load %arg7[%swap3A_821, %swap3A_822] {strides = array<i32>} : memref<5x512xf32, #tpu.memory_space<vmem>>, vector<16xf32>,
    tpu.vector_store %arg7[%swap3A_821, %swap3A_822], %gather3A_819 {strides = array<i32>} : memref<5x512xf32, #tpu.memory_space<vmem>>, vector<16xf32>,
    %broadcast_in_dim3A_824 = arith.constant 1 : i32
    %broadcast_in_dim3A_825 = vector.broadcast %broadcast_in_dim3A_824 : i32 to vector<16xi32>
    %gather3A_826 = tpu.vector_load_idx %arg5[%broadcast_in_dim3A_825, %get3A_816] : memref<5x1024xf32, #tpu.memory_space<vmem>>[vector<16xi32>, vector<16xi32>], vector<16xf32>,
    %swap3A_827 = arith.constant 1 : i32
    %swap3A_828 = arith.index_cast %swap3A_827 : i32 to index
    %swap3A_829 = arith.constant 352 : index
    %swap3A_830 = tpu.vector_load %arg7[%swap3A_828, %swap3A_829] {strides = array<i32>} : memref<5x512xf32, #tpu.memory_space<vmem>>, vector<16xf32>,
    tpu.vector_store %arg7[%swap3A_828, %swap3A_829], %gather3A_826 {strides = array<i32>} : memref<5x512xf32, #tpu.memory_space<vmem>>, vector<16xf32>,
    %broadcast_in_dim3A_831 = arith.constant 2 : i32
    %broadcast_in_dim3A_832 = vector.broadcast %broadcast_in_dim3A_831 : i32 to vector<16xi32>
    %gather3A_833 = tpu.vector_load_idx %arg5[%broadcast_in_dim3A_832, %get3A_816] : memref<5x1024xf32, #tpu.memory_space<vmem>>[vector<16xi32>, vector<16xi32>], vector<16xf32>,
    %swap3A_834 = arith.constant 2 : i32
    %swap3A_835 = arith.index_cast %swap3A_834 : i32 to index
    %swap3A_836 = arith.constant 352 : index
    %swap3A_837 = tpu.vector_load %arg7[%swap3A_835, %swap3A_836] {strides = array<i32>} : memref<5x512xf32, #tpu.memory_space<vmem>>, vector<16xf32>,
    tpu.vector_store %arg7[%swap3A_835, %swap3A_836], %gather3A_833 {strides = array<i32>} : memref<5x512xf32, #tpu.memory_space<vmem>>, vector<16xf32>,
    %broadcast_in_dim3A_838 = arith.constant 3 : i32
    %broadcast_in_dim3A_839 = vector.broadcast %broadcast_in_dim3A_838 : i32 to vector<16xi32>
    %gather3A_840 = tpu.vector_load_idx %arg5[%broadcast_in_dim3A_839, %get3A_816] : memref<5x1024xf32, #tpu.memory_space<vmem>>[vector<16xi32>, vector<16xi32>], vector<16xf32>,
    %swap3A_841 = arith.constant 3 : i32
    %swap3A_842 = arith.index_cast %swap3A_841 : i32 to index
    %swap3A_843 = arith.constant 352 : index
    %swap3A_844 = tpu.vector_load %arg7[%swap3A_842, %swap3A_843] {strides = array<i32>} : memref<5x512xf32, #tpu.memory_space<vmem>>, vector<16xf32>,
    tpu.vector_store %arg7[%swap3A_842, %swap3A_843], %gather3A_840 {strides = array<i32>} : memref<5x512xf32, #tpu.memory_space<vmem>>, vector<16xf32>,
    %broadcast_in_dim3A_845 = arith.constant 4 : i32
    %broadcast_in_dim3A_846 = vector.broadcast %broadcast_in_dim3A_845 : i32 to vector<16xi32>
    %gather3A_847 = tpu.vector_load_idx %arg5[%broadcast_in_dim3A_846, %get3A_816] : memref<5x1024xf32, #tpu.memory_space<vmem>>[vector<16xi32>, vector<16xi32>], vector<16xf32>,
    %swap3A_848 = arith.constant 4 : i32
    %swap3A_849 = arith.index_cast %swap3A_848 : i32 to index
    %swap3A_850 = arith.constant 352 : index
    %swap3A_851 = tpu.vector_load %arg7[%swap3A_849, %swap3A_850] {strides = array<i32>} : memref<5x512xf32, #tpu.memory_space<vmem>>, vector<16xf32>,
    tpu.vector_store %arg7[%swap3A_849, %swap3A_850], %gather3A_847 {strides = array<i32>} : memref<5x512xf32, #tpu.memory_space<vmem>>, vector<16xf32>,
    %get3A_852 = arith.constant 368 : index
    %get3A_853 = tpu.vector_load %arg6[%get3A_852] {strides = array<i32>} : memref<512xi32, #tpu.memory_space<vmem>>, vector<16xi32>,
    %broadcast_in_dim3A_854 = arith.constant 0 : i32
    %broadcast_in_dim3A_855 = vector.broadcast %broadcast_in_dim3A_854 : i32 to vector<16xi32>
    %gather3A_856 = tpu.vector_load_idx %arg5[%broadcast_in_dim3A_855, %get3A_853] : memref<5x1024xf32, #tpu.memory_space<vmem>>[vector<16xi32>, vector<16xi32>], vector<16xf32>,
    %swap3A_857 = arith.constant 0 : i32
    %swap3A_858 = arith.index_cast %swap3A_857 : i32 to index
    %swap3A_859 = arith.constant 368 : index
    %swap3A_860 = tpu.vector_load %arg7[%swap3A_858, %swap3A_859] {strides = array<i32>} : memref<5x512xf32, #tpu.memory_space<vmem>>, vector<16xf32>,
    tpu.vector_store %arg7[%swap3A_858, %swap3A_859], %gather3A_856 {strides = array<i32>} : memref<5x512xf32, #tpu.memory_space<vmem>>, vector<16xf32>,
    %broadcast_in_dim3A_861 = arith.constant 1 : i32
    %broadcast_in_dim3A_862 = vector.broadcast %broadcast_in_dim3A_861 : i32 to vector<16xi32>
    %gather3A_863 = tpu.vector_load_idx %arg5[%broadcast_in_dim3A_862, %get3A_853] : memref<5x1024xf32, #tpu.memory_space<vmem>>[vector<16xi32>, vector<16xi32>], vector<16xf32>,
    %swap3A_864 = arith.constant 1 : i32
    %swap3A_865 = arith.index_cast %swap3A_864 : i32 to index
    %swap3A_866 = arith.constant 368 : index
    %swap3A_867 = tpu.vector_load %arg7[%swap3A_865, %swap3A_866] {strides = array<i32>} : memref<5x512xf32, #tpu.memory_space<vmem>>, vector<16xf32>,
    tpu.vector_store %arg7[%swap3A_865, %swap3A_866], %gather3A_863 {strides = array<i32>} : memref<5x512xf32, #tpu.memory_space<vmem>>, vector<16xf32>,
    %broadcast_in_dim3A_868 = arith.constant 2 : i32
    %broadcast_in_dim3A_869 = vector.broadcast %broadcast_in_dim3A_868 : i32 to vector<16xi32>
    %gather3A_870 = tpu.vector_load_idx %arg5[%broadcast_in_dim3A_869, %get3A_853] : memref<5x1024xf32, #tpu.memory_space<vmem>>[vector<16xi32>, vector<16xi32>], vector<16xf32>,
    %swap3A_871 = arith.constant 2 : i32
    %swap3A_872 = arith.index_cast %swap3A_871 : i32 to index
    %swap3A_873 = arith.constant 368 : index
    %swap3A_874 = tpu.vector_load %arg7[%swap3A_872, %swap3A_873] {strides = array<i32>} : memref<5x512xf32, #tpu.memory_space<vmem>>, vector<16xf32>,
    tpu.vector_store %arg7[%swap3A_872, %swap3A_873], %gather3A_870 {strides = array<i32>} : memref<5x512xf32, #tpu.memory_space<vmem>>, vector<16xf32>,
    %broadcast_in_dim3A_875 = arith.constant 3 : i32
    %broadcast_in_dim3A_876 = vector.broadcast %broadcast_in_dim3A_875 : i32 to vector<16xi32>
    %gather3A_877 = tpu.vector_load_idx %arg5[%broadcast_in_dim3A_876, %get3A_853] : memref<5x1024xf32, #tpu.memory_space<vmem>>[vector<16xi32>, vector<16xi32>], vector<16xf32>,
    %swap3A_878 = arith.constant 3 : i32
    %swap3A_879 = arith.index_cast %swap3A_878 : i32 to index
    %swap3A_880 = arith.constant 368 : index
    %swap3A_881 = tpu.vector_load %arg7[%swap3A_879, %swap3A_880] {strides = array<i32>} : memref<5x512xf32, #tpu.memory_space<vmem>>, vector<16xf32>,
    tpu.vector_store %arg7[%swap3A_879, %swap3A_880], %gather3A_877 {strides = array<i32>} : memref<5x512xf32, #tpu.memory_space<vmem>>, vector<16xf32>,
    %broadcast_in_dim3A_882 = arith.constant 4 : i32
    %broadcast_in_dim3A_883 = vector.broadcast %broadcast_in_dim3A_882 : i32 to vector<16xi32>
    %gather3A_884 = tpu.vector_load_idx %arg5[%broadcast_in_dim3A_883, %get3A_853] : memref<5x1024xf32, #tpu.memory_space<vmem>>[vector<16xi32>, vector<16xi32>], vector<16xf32>,
    %swap3A_885 = arith.constant 4 : i32
    %swap3A_886 = arith.index_cast %swap3A_885 : i32 to index
    %swap3A_887 = arith.constant 368 : index
    %swap3A_888 = tpu.vector_load %arg7[%swap3A_886, %swap3A_887] {strides = array<i32>} : memref<5x512xf32, #tpu.memory_space<vmem>>, vector<16xf32>,
    tpu.vector_store %arg7[%swap3A_886, %swap3A_887], %gather3A_884 {strides = array<i32>} : memref<5x512xf32, #tpu.memory_space<vmem>>, vector<16xf32>,
    %get3A_889 = arith.constant 384 : index
    %get3A_890 = tpu.vector_load %arg6[%get3A_889] {strides = array<i32>} : memref<512xi32, #tpu.memory_space<vmem>>, vector<16xi32>,
    %broadcast_in_dim3A_891 = arith.constant 0 : i32
    %broadcast_in_dim3A_892 = vector.broadcast %broadcast_in_dim3A_891 : i32 to vector<16xi32>
    %gather3A_893 = tpu.vector_load_idx %arg5[%broadcast_in_dim3A_892, %get3A_890] : memref<5x1024xf32, #tpu.memory_space<vmem>>[vector<16xi32>, vector<16xi32>], vector<16xf32>,
    %swap3A_894 = arith.constant 0 : i32
    %swap3A_895 = arith.index_cast %swap3A_894 : i32 to index
    %swap3A_896 = arith.constant 384 : index
    %swap3A_897 = tpu.vector_load %arg7[%swap3A_895, %swap3A_896] {strides = array<i32>} : memref<5x512xf32, #tpu.memory_space<vmem>>, vector<16xf32>,
    tpu.vector_store %arg7[%swap3A_895, %swap3A_896], %gather3A_893 {strides = array<i32>} : memref<5x512xf32, #tpu.memory_space<vmem>>, vector<16xf32>,
    %broadcast_in_dim3A_898 = arith.constant 1 : i32
    %broadcast_in_dim3A_899 = vector.broadcast %broadcast_in_dim3A_898 : i32 to vector<16xi32>
    %gather3A_900 = tpu.vector_load_idx %arg5[%broadcast_in_dim3A_899, %get3A_890] : memref<5x1024xf32, #tpu.memory_space<vmem>>[vector<16xi32>, vector<16xi32>], vector<16xf32>,
    %swap3A_901 = arith.constant 1 : i32
    %swap3A_902 = arith.index_cast %swap3A_901 : i32 to index
    %swap3A_903 = arith.constant 384 : index
    %swap3A_904 = tpu.vector_load %arg7[%swap3A_902, %swap3A_903] {strides = array<i32>} : memref<5x512xf32, #tpu.memory_space<vmem>>, vector<16xf32>,
    tpu.vector_store %arg7[%swap3A_902, %swap3A_903], %gather3A_900 {strides = array<i32>} : memref<5x512xf32, #tpu.memory_space<vmem>>, vector<16xf32>,
    %broadcast_in_dim3A_905 = arith.constant 2 : i32
    %broadcast_in_dim3A_906 = vector.broadcast %broadcast_in_dim3A_905 : i32 to vector<16xi32>
    %gather3A_907 = tpu.vector_load_idx %arg5[%broadcast_in_dim3A_906, %get3A_890] : memref<5x1024xf32, #tpu.memory_space<vmem>>[vector<16xi32>, vector<16xi32>], vector<16xf32>,
    %swap3A_908 = arith.constant 2 : i32
    %swap3A_909 = arith.index_cast %swap3A_908 : i32 to index
    %swap3A_910 = arith.constant 384 : index
    %swap3A_911 = tpu.vector_load %arg7[%swap3A_909, %swap3A_910] {strides = array<i32>} : memref<5x512xf32, #tpu.memory_space<vmem>>, vector<16xf32>,
    tpu.vector_store %arg7[%swap3A_909, %swap3A_910], %gather3A_907 {strides = array<i32>} : memref<5x512xf32, #tpu.memory_space<vmem>>, vector<16xf32>,
    %broadcast_in_dim3A_912 = arith.constant 3 : i32
    %broadcast_in_dim3A_913 = vector.broadcast %broadcast_in_dim3A_912 : i32 to vector<16xi32>
    %gather3A_914 = tpu.vector_load_idx %arg5[%broadcast_in_dim3A_913, %get3A_890] : memref<5x1024xf32, #tpu.memory_space<vmem>>[vector<16xi32>, vector<16xi32>], vector<16xf32>,
    %swap3A_915 = arith.constant 3 : i32
    %swap3A_916 = arith.index_cast %swap3A_915 : i32 to index
    %swap3A_917 = arith.constant 384 : index
    %swap3A_918 = tpu.vector_load %arg7[%swap3A_916, %swap3A_917] {strides = array<i32>} : memref<5x512xf32, #tpu.memory_space<vmem>>, vector<16xf32>,
    tpu.vector_store %arg7[%swap3A_916, %swap3A_917], %gather3A_914 {strides = array<i32>} : memref<5x512xf32, #tpu.memory_space<vmem>>, vector<16xf32>,
    %broadcast_in_dim3A_919 = arith.constant 4 : i32
    %broadcast_in_dim3A_920 = vector.broadcast %broadcast_in_dim3A_919 : i32 to vector<16xi32>
    %gather3A_921 = tpu.vector_load_idx %arg5[%broadcast_in_dim3A_920, %get3A_890] : memref<5x1024xf32, #tpu.memory_space<vmem>>[vector<16xi32>, vector<16xi32>], vector<16xf32>,
    %swap3A_922 = arith.constant 4 : i32
    %swap3A_923 = arith.index_cast %swap3A_922 : i32 to index
    %swap3A_924 = arith.constant 384 : index
    %swap3A_925 = tpu.vector_load %arg7[%swap3A_923, %swap3A_924] {strides = array<i32>} : memref<5x512xf32, #tpu.memory_space<vmem>>, vector<16xf32>,
    tpu.vector_store %arg7[%swap3A_923, %swap3A_924], %gather3A_921 {strides = array<i32>} : memref<5x512xf32, #tpu.memory_space<vmem>>, vector<16xf32>,
    %get3A_926 = arith.constant 400 : index
    %get3A_927 = tpu.vector_load %arg6[%get3A_926] {strides = array<i32>} : memref<512xi32, #tpu.memory_space<vmem>>, vector<16xi32>,
    %broadcast_in_dim3A_928 = arith.constant 0 : i32
    %broadcast_in_dim3A_929 = vector.broadcast %broadcast_in_dim3A_928 : i32 to vector<16xi32>
    %gather3A_930 = tpu.vector_load_idx %arg5[%broadcast_in_dim3A_929, %get3A_927] : memref<5x1024xf32, #tpu.memory_space<vmem>>[vector<16xi32>, vector<16xi32>], vector<16xf32>,
    %swap3A_931 = arith.constant 0 : i32
    %swap3A_932 = arith.index_cast %swap3A_931 : i32 to index
    %swap3A_933 = arith.constant 400 : index
    %swap3A_934 = tpu.vector_load %arg7[%swap3A_932, %swap3A_933] {strides = array<i32>} : memref<5x512xf32, #tpu.memory_space<vmem>>, vector<16xf32>,
    tpu.vector_store %arg7[%swap3A_932, %swap3A_933], %gather3A_930 {strides = array<i32>} : memref<5x512xf32, #tpu.memory_space<vmem>>, vector<16xf32>,
    %broadcast_in_dim3A_935 = arith.constant 1 : i32
    %broadcast_in_dim3A_936 = vector.broadcast %broadcast_in_dim3A_935 : i32 to vector<16xi32>
    %gather3A_937 = tpu.vector_load_idx %arg5[%broadcast_in_dim3A_936, %get3A_927] : memref<5x1024xf32, #tpu.memory_space<vmem>>[vector<16xi32>, vector<16xi32>], vector<16xf32>,
    %swap3A_938 = arith.constant 1 : i32
    %swap3A_939 = arith.index_cast %swap3A_938 : i32 to index
    %swap3A_940 = arith.constant 400 : index
    %swap3A_941 = tpu.vector_load %arg7[%swap3A_939, %swap3A_940] {strides = array<i32>} : memref<5x512xf32, #tpu.memory_space<vmem>>, vector<16xf32>,
    tpu.vector_store %arg7[%swap3A_939, %swap3A_940], %gather3A_937 {strides = array<i32>} : memref<5x512xf32, #tpu.memory_space<vmem>>, vector<16xf32>,
    %broadcast_in_dim3A_942 = arith.constant 2 : i32
    %broadcast_in_dim3A_943 = vector.broadcast %broadcast_in_dim3A_942 : i32 to vector<16xi32>
    %gather3A_944 = tpu.vector_load_idx %arg5[%broadcast_in_dim3A_943, %get3A_927] : memref<5x1024xf32, #tpu.memory_space<vmem>>[vector<16xi32>, vector<16xi32>], vector<16xf32>,
    %swap3A_945 = arith.constant 2 : i32
    %swap3A_946 = arith.index_cast %swap3A_945 : i32 to index
    %swap3A_947 = arith.constant 400 : index
    %swap3A_948 = tpu.vector_load %arg7[%swap3A_946, %swap3A_947] {strides = array<i32>} : memref<5x512xf32, #tpu.memory_space<vmem>>, vector<16xf32>,
    tpu.vector_store %arg7[%swap3A_946, %swap3A_947], %gather3A_944 {strides = array<i32>} : memref<5x512xf32, #tpu.memory_space<vmem>>, vector<16xf32>,
    %broadcast_in_dim3A_949 = arith.constant 3 : i32
    %broadcast_in_dim3A_950 = vector.broadcast %broadcast_in_dim3A_949 : i32 to vector<16xi32>
    %gather3A_951 = tpu.vector_load_idx %arg5[%broadcast_in_dim3A_950, %get3A_927] : memref<5x1024xf32, #tpu.memory_space<vmem>>[vector<16xi32>, vector<16xi32>], vector<16xf32>,
    %swap3A_952 = arith.constant 3 : i32
    %swap3A_953 = arith.index_cast %swap3A_952 : i32 to index
    %swap3A_954 = arith.constant 400 : index
    %swap3A_955 = tpu.vector_load %arg7[%swap3A_953, %swap3A_954] {strides = array<i32>} : memref<5x512xf32, #tpu.memory_space<vmem>>, vector<16xf32>,
    tpu.vector_store %arg7[%swap3A_953, %swap3A_954], %gather3A_951 {strides = array<i32>} : memref<5x512xf32, #tpu.memory_space<vmem>>, vector<16xf32>,
    %broadcast_in_dim3A_956 = arith.constant 4 : i32
    %broadcast_in_dim3A_957 = vector.broadcast %broadcast_in_dim3A_956 : i32 to vector<16xi32>
    %gather3A_958 = tpu.vector_load_idx %arg5[%broadcast_in_dim3A_957, %get3A_927] : memref<5x1024xf32, #tpu.memory_space<vmem>>[vector<16xi32>, vector<16xi32>], vector<16xf32>,
    %swap3A_959 = arith.constant 4 : i32
    %swap3A_960 = arith.index_cast %swap3A_959 : i32 to index
    %swap3A_961 = arith.constant 400 : index
    %swap3A_962 = tpu.vector_load %arg7[%swap3A_960, %swap3A_961] {strides = array<i32>} : memref<5x512xf32, #tpu.memory_space<vmem>>, vector<16xf32>,
    tpu.vector_store %arg7[%swap3A_960, %swap3A_961], %gather3A_958 {strides = array<i32>} : memref<5x512xf32, #tpu.memory_space<vmem>>, vector<16xf32>,
    %get3A_963 = arith.constant 416 : index
    %get3A_964 = tpu.vector_load %arg6[%get3A_963] {strides = array<i32>} : memref<512xi32, #tpu.memory_space<vmem>>, vector<16xi32>,
    %broadcast_in_dim3A_965 = arith.constant 0 : i32
    %broadcast_in_dim3A_966 = vector.broadcast %broadcast_in_dim3A_965 : i32 to vector<16xi32>
    %gather3A_967 = tpu.vector_load_idx %arg5[%broadcast_in_dim3A_966, %get3A_964] : memref<5x1024xf32, #tpu.memory_space<vmem>>[vector<16xi32>, vector<16xi32>], vector<16xf32>,
    %swap3A_968 = arith.constant 0 : i32
    %swap3A_969 = arith.index_cast %swap3A_968 : i32 to index
    %swap3A_970 = arith.constant 416 : index
    %swap3A_971 = tpu.vector_load %arg7[%swap3A_969, %swap3A_970] {strides = array<i32>} : memref<5x512xf32, #tpu.memory_space<vmem>>, vector<16xf32>,
    tpu.vector_store %arg7[%swap3A_969, %swap3A_970], %gather3A_967 {strides = array<i32>} : memref<5x512xf32, #tpu.memory_space<vmem>>, vector<16xf32>,
    %broadcast_in_dim3A_972 = arith.constant 1 : i32
    %broadcast_in_dim3A_973 = vector.broadcast %broadcast_in_dim3A_972 : i32 to vector<16xi32>
    %gather3A_974 = tpu.vector_load_idx %arg5[%broadcast_in_dim3A_973, %get3A_964] : memref<5x1024xf32, #tpu.memory_space<vmem>>[vector<16xi32>, vector<16xi32>], vector<16xf32>,
    %swap3A_975 = arith.constant 1 : i32
    %swap3A_976 = arith.index_cast %swap3A_975 : i32 to index
    %swap3A_977 = arith.constant 416 : index
    %swap3A_978 = tpu.vector_load %arg7[%swap3A_976, %swap3A_977] {strides = array<i32>} : memref<5x512xf32, #tpu.memory_space<vmem>>, vector<16xf32>,
    tpu.vector_store %arg7[%swap3A_976, %swap3A_977], %gather3A_974 {strides = array<i32>} : memref<5x512xf32, #tpu.memory_space<vmem>>, vector<16xf32>,
    %broadcast_in_dim3A_979 = arith.constant 2 : i32
    %broadcast_in_dim3A_980 = vector.broadcast %broadcast_in_dim3A_979 : i32 to vector<16xi32>
    %gather3A_981 = tpu.vector_load_idx %arg5[%broadcast_in_dim3A_980, %get3A_964] : memref<5x1024xf32, #tpu.memory_space<vmem>>[vector<16xi32>, vector<16xi32>], vector<16xf32>,
    %swap3A_982 = arith.constant 2 : i32
    %swap3A_983 = arith.index_cast %swap3A_982 : i32 to index
    %swap3A_984 = arith.constant 416 : index
    %swap3A_985 = tpu.vector_load %arg7[%swap3A_983, %swap3A_984] {strides = array<i32>} : memref<5x512xf32, #tpu.memory_space<vmem>>, vector<16xf32>,
    tpu.vector_store %arg7[%swap3A_983, %swap3A_984], %gather3A_981 {strides = array<i32>} : memref<5x512xf32, #tpu.memory_space<vmem>>, vector<16xf32>,
    %broadcast_in_dim3A_986 = arith.constant 3 : i32
    %broadcast_in_dim3A_987 = vector.broadcast %broadcast_in_dim3A_986 : i32 to vector<16xi32>
    %gather3A_988 = tpu.vector_load_idx %arg5[%broadcast_in_dim3A_987, %get3A_964] : memref<5x1024xf32, #tpu.memory_space<vmem>>[vector<16xi32>, vector<16xi32>], vector<16xf32>,
    %swap3A_989 = arith.constant 3 : i32
    %swap3A_990 = arith.index_cast %swap3A_989 : i32 to index
    %swap3A_991 = arith.constant 416 : index
    %swap3A_992 = tpu.vector_load %arg7[%swap3A_990, %swap3A_991] {strides = array<i32>} : memref<5x512xf32, #tpu.memory_space<vmem>>, vector<16xf32>,
    tpu.vector_store %arg7[%swap3A_990, %swap3A_991], %gather3A_988 {strides = array<i32>} : memref<5x512xf32, #tpu.memory_space<vmem>>, vector<16xf32>,
    %broadcast_in_dim3A_993 = arith.constant 4 : i32
    %broadcast_in_dim3A_994 = vector.broadcast %broadcast_in_dim3A_993 : i32 to vector<16xi32>
    %gather3A_995 = tpu.vector_load_idx %arg5[%broadcast_in_dim3A_994, %get3A_964] : memref<5x1024xf32, #tpu.memory_space<vmem>>[vector<16xi32>, vector<16xi32>], vector<16xf32>,
    %swap3A_996 = arith.constant 4 : i32
    %swap3A_997 = arith.index_cast %swap3A_996 : i32 to index
    %swap3A_998 = arith.constant 416 : index
    %swap3A_999 = tpu.vector_load %arg7[%swap3A_997, %swap3A_998] {strides = array<i32>} : memref<5x512xf32, #tpu.memory_space<vmem>>, vector<16xf32>,
    tpu.vector_store %arg7[%swap3A_997, %swap3A_998], %gather3A_995 {strides = array<i32>} : memref<5x512xf32, #tpu.memory_space<vmem>>, vector<16xf32>,
    %get3A_1000 = arith.constant 432 : index
    %get3A_1001 = tpu.vector_load %arg6[%get3A_1000] {strides = array<i32>} : memref<512xi32, #tpu.memory_space<vmem>>, vector<16xi32>,
    %broadcast_in_dim3A_1002 = arith.constant 0 : i32
    %broadcast_in_dim3A_1003 = vector.broadcast %broadcast_in_dim3A_1002 : i32 to vector<16xi32>
    %gather3A_1004 = tpu.vector_load_idx %arg5[%broadcast_in_dim3A_1003, %get3A_1001] : memref<5x1024xf32, #tpu.memory_space<vmem>>[vector<16xi32>, vector<16xi32>], vector<16xf32>,
    %swap3A_1005 = arith.constant 0 : i32
    %swap3A_1006 = arith.index_cast %swap3A_1005 : i32 to index
    %swap3A_1007 = arith.constant 432 : index
    %swap3A_1008 = tpu.vector_load %arg7[%swap3A_1006, %swap3A_1007] {strides = array<i32>} : memref<5x512xf32, #tpu.memory_space<vmem>>, vector<16xf32>,
    tpu.vector_store %arg7[%swap3A_1006, %swap3A_1007], %gather3A_1004 {strides = array<i32>} : memref<5x512xf32, #tpu.memory_space<vmem>>, vector<16xf32>,
    %broadcast_in_dim3A_1009 = arith.constant 1 : i32
    %broadcast_in_dim3A_1010 = vector.broadcast %broadcast_in_dim3A_1009 : i32 to vector<16xi32>
    %gather3A_1011 = tpu.vector_load_idx %arg5[%broadcast_in_dim3A_1010, %get3A_1001] : memref<5x1024xf32, #tpu.memory_space<vmem>>[vector<16xi32>, vector<16xi32>], vector<16xf32>,
    %swap3A_1012 = arith.constant 1 : i32
    %swap3A_1013 = arith.index_cast %swap3A_1012 : i32 to index
    %swap3A_1014 = arith.constant 432 : index
    %swap3A_1015 = tpu.vector_load %arg7[%swap3A_1013, %swap3A_1014] {strides = array<i32>} : memref<5x512xf32, #tpu.memory_space<vmem>>, vector<16xf32>,
    tpu.vector_store %arg7[%swap3A_1013, %swap3A_1014], %gather3A_1011 {strides = array<i32>} : memref<5x512xf32, #tpu.memory_space<vmem>>, vector<16xf32>,
    %broadcast_in_dim3A_1016 = arith.constant 2 : i32
    %broadcast_in_dim3A_1017 = vector.broadcast %broadcast_in_dim3A_1016 : i32 to vector<16xi32>
    %gather3A_1018 = tpu.vector_load_idx %arg5[%broadcast_in_dim3A_1017, %get3A_1001] : memref<5x1024xf32, #tpu.memory_space<vmem>>[vector<16xi32>, vector<16xi32>], vector<16xf32>,
    %swap3A_1019 = arith.constant 2 : i32
    %swap3A_1020 = arith.index_cast %swap3A_1019 : i32 to index
    %swap3A_1021 = arith.constant 432 : index
    %swap3A_1022 = tpu.vector_load %arg7[%swap3A_1020, %swap3A_1021] {strides = array<i32>} : memref<5x512xf32, #tpu.memory_space<vmem>>, vector<16xf32>,
    tpu.vector_store %arg7[%swap3A_1020, %swap3A_1021], %gather3A_1018 {strides = array<i32>} : memref<5x512xf32, #tpu.memory_space<vmem>>, vector<16xf32>,
    %broadcast_in_dim3A_1023 = arith.constant 3 : i32
    %broadcast_in_dim3A_1024 = vector.broadcast %broadcast_in_dim3A_1023 : i32 to vector<16xi32>
    %gather3A_1025 = tpu.vector_load_idx %arg5[%broadcast_in_dim3A_1024, %get3A_1001] : memref<5x1024xf32, #tpu.memory_space<vmem>>[vector<16xi32>, vector<16xi32>], vector<16xf32>,
    %swap3A_1026 = arith.constant 3 : i32
    %swap3A_1027 = arith.index_cast %swap3A_1026 : i32 to index
    %swap3A_1028 = arith.constant 432 : index
    %swap3A_1029 = tpu.vector_load %arg7[%swap3A_1027, %swap3A_1028] {strides = array<i32>} : memref<5x512xf32, #tpu.memory_space<vmem>>, vector<16xf32>,
    tpu.vector_store %arg7[%swap3A_1027, %swap3A_1028], %gather3A_1025 {strides = array<i32>} : memref<5x512xf32, #tpu.memory_space<vmem>>, vector<16xf32>,
    %broadcast_in_dim3A_1030 = arith.constant 4 : i32
    %broadcast_in_dim3A_1031 = vector.broadcast %broadcast_in_dim3A_1030 : i32 to vector<16xi32>
    %gather3A_1032 = tpu.vector_load_idx %arg5[%broadcast_in_dim3A_1031, %get3A_1001] : memref<5x1024xf32, #tpu.memory_space<vmem>>[vector<16xi32>, vector<16xi32>], vector<16xf32>,
    %swap3A_1033 = arith.constant 4 : i32
    %swap3A_1034 = arith.index_cast %swap3A_1033 : i32 to index
    %swap3A_1035 = arith.constant 432 : index
    %swap3A_1036 = tpu.vector_load %arg7[%swap3A_1034, %swap3A_1035] {strides = array<i32>} : memref<5x512xf32, #tpu.memory_space<vmem>>, vector<16xf32>,
    tpu.vector_store %arg7[%swap3A_1034, %swap3A_1035], %gather3A_1032 {strides = array<i32>} : memref<5x512xf32, #tpu.memory_space<vmem>>, vector<16xf32>,
    %get3A_1037 = arith.constant 448 : index
    %get3A_1038 = tpu.vector_load %arg6[%get3A_1037] {strides = array<i32>} : memref<512xi32, #tpu.memory_space<vmem>>, vector<16xi32>,
    %broadcast_in_dim3A_1039 = arith.constant 0 : i32
    %broadcast_in_dim3A_1040 = vector.broadcast %broadcast_in_dim3A_1039 : i32 to vector<16xi32>
    %gather3A_1041 = tpu.vector_load_idx %arg5[%broadcast_in_dim3A_1040, %get3A_1038] : memref<5x1024xf32, #tpu.memory_space<vmem>>[vector<16xi32>, vector<16xi32>], vector<16xf32>,
    %swap3A_1042 = arith.constant 0 : i32
    %swap3A_1043 = arith.index_cast %swap3A_1042 : i32 to index
    %swap3A_1044 = arith.constant 448 : index
    %swap3A_1045 = tpu.vector_load %arg7[%swap3A_1043, %swap3A_1044] {strides = array<i32>} : memref<5x512xf32, #tpu.memory_space<vmem>>, vector<16xf32>,
    tpu.vector_store %arg7[%swap3A_1043, %swap3A_1044], %gather3A_1041 {strides = array<i32>} : memref<5x512xf32, #tpu.memory_space<vmem>>, vector<16xf32>,
    %broadcast_in_dim3A_1046 = arith.constant 1 : i32
    %broadcast_in_dim3A_1047 = vector.broadcast %broadcast_in_dim3A_1046 : i32 to vector<16xi32>
    %gather3A_1048 = tpu.vector_load_idx %arg5[%broadcast_in_dim3A_1047, %get3A_1038] : memref<5x1024xf32, #tpu.memory_space<vmem>>[vector<16xi32>, vector<16xi32>], vector<16xf32>,
    %swap3A_1049 = arith.constant 1 : i32
    %swap3A_1050 = arith.index_cast %swap3A_1049 : i32 to index
    %swap3A_1051 = arith.constant 448 : index
    %swap3A_1052 = tpu.vector_load %arg7[%swap3A_1050, %swap3A_1051] {strides = array<i32>} : memref<5x512xf32, #tpu.memory_space<vmem>>, vector<16xf32>,
    tpu.vector_store %arg7[%swap3A_1050, %swap3A_1051], %gather3A_1048 {strides = array<i32>} : memref<5x512xf32, #tpu.memory_space<vmem>>, vector<16xf32>,
    %broadcast_in_dim3A_1053 = arith.constant 2 : i32
    %broadcast_in_dim3A_1054 = vector.broadcast %broadcast_in_dim3A_1053 : i32 to vector<16xi32>
    %gather3A_1055 = tpu.vector_load_idx %arg5[%broadcast_in_dim3A_1054, %get3A_1038] : memref<5x1024xf32, #tpu.memory_space<vmem>>[vector<16xi32>, vector<16xi32>], vector<16xf32>,
    %swap3A_1056 = arith.constant 2 : i32
    %swap3A_1057 = arith.index_cast %swap3A_1056 : i32 to index
    %swap3A_1058 = arith.constant 448 : index
    %swap3A_1059 = tpu.vector_load %arg7[%swap3A_1057, %swap3A_1058] {strides = array<i32>} : memref<5x512xf32, #tpu.memory_space<vmem>>, vector<16xf32>,
    tpu.vector_store %arg7[%swap3A_1057, %swap3A_1058], %gather3A_1055 {strides = array<i32>} : memref<5x512xf32, #tpu.memory_space<vmem>>, vector<16xf32>,
    %broadcast_in_dim3A_1060 = arith.constant 3 : i32
    %broadcast_in_dim3A_1061 = vector.broadcast %broadcast_in_dim3A_1060 : i32 to vector<16xi32>
    %gather3A_1062 = tpu.vector_load_idx %arg5[%broadcast_in_dim3A_1061, %get3A_1038] : memref<5x1024xf32, #tpu.memory_space<vmem>>[vector<16xi32>, vector<16xi32>], vector<16xf32>,
    %swap3A_1063 = arith.constant 3 : i32
    %swap3A_1064 = arith.index_cast %swap3A_1063 : i32 to index
    %swap3A_1065 = arith.constant 448 : index
    %swap3A_1066 = tpu.vector_load %arg7[%swap3A_1064, %swap3A_1065] {strides = array<i32>} : memref<5x512xf32, #tpu.memory_space<vmem>>, vector<16xf32>,
    tpu.vector_store %arg7[%swap3A_1064, %swap3A_1065], %gather3A_1062 {strides = array<i32>} : memref<5x512xf32, #tpu.memory_space<vmem>>, vector<16xf32>,
    %broadcast_in_dim3A_1067 = arith.constant 4 : i32
    %broadcast_in_dim3A_1068 = vector.broadcast %broadcast_in_dim3A_1067 : i32 to vector<16xi32>
    %gather3A_1069 = tpu.vector_load_idx %arg5[%broadcast_in_dim3A_1068, %get3A_1038] : memref<5x1024xf32, #tpu.memory_space<vmem>>[vector<16xi32>, vector<16xi32>], vector<16xf32>,
    %swap3A_1070 = arith.constant 4 : i32
    %swap3A_1071 = arith.index_cast %swap3A_1070 : i32 to index
    %swap3A_1072 = arith.constant 448 : index
    %swap3A_1073 = tpu.vector_load %arg7[%swap3A_1071, %swap3A_1072] {strides = array<i32>} : memref<5x512xf32, #tpu.memory_space<vmem>>, vector<16xf32>,
    tpu.vector_store %arg7[%swap3A_1071, %swap3A_1072], %gather3A_1069 {strides = array<i32>} : memref<5x512xf32, #tpu.memory_space<vmem>>, vector<16xf32>,
    %get3A_1074 = arith.constant 464 : index
    %get3A_1075 = tpu.vector_load %arg6[%get3A_1074] {strides = array<i32>} : memref<512xi32, #tpu.memory_space<vmem>>, vector<16xi32>,
    %broadcast_in_dim3A_1076 = arith.constant 0 : i32
    %broadcast_in_dim3A_1077 = vector.broadcast %broadcast_in_dim3A_1076 : i32 to vector<16xi32>
    %gather3A_1078 = tpu.vector_load_idx %arg5[%broadcast_in_dim3A_1077, %get3A_1075] : memref<5x1024xf32, #tpu.memory_space<vmem>>[vector<16xi32>, vector<16xi32>], vector<16xf32>,
    %swap3A_1079 = arith.constant 0 : i32
    %swap3A_1080 = arith.index_cast %swap3A_1079 : i32 to index
    %swap3A_1081 = arith.constant 464 : index
    %swap3A_1082 = tpu.vector_load %arg7[%swap3A_1080, %swap3A_1081] {strides = array<i32>} : memref<5x512xf32, #tpu.memory_space<vmem>>, vector<16xf32>,
    tpu.vector_store %arg7[%swap3A_1080, %swap3A_1081], %gather3A_1078 {strides = array<i32>} : memref<5x512xf32, #tpu.memory_space<vmem>>, vector<16xf32>,
    %broadcast_in_dim3A_1083 = arith.constant 1 : i32
    %broadcast_in_dim3A_1084 = vector.broadcast %broadcast_in_dim3A_1083 : i32 to vector<16xi32>
    %gather3A_1085 = tpu.vector_load_idx %arg5[%broadcast_in_dim3A_1084, %get3A_1075] : memref<5x1024xf32, #tpu.memory_space<vmem>>[vector<16xi32>, vector<16xi32>], vector<16xf32>,
    %swap3A_1086 = arith.constant 1 : i32
    %swap3A_1087 = arith.index_cast %swap3A_1086 : i32 to index
    %swap3A_1088 = arith.constant 464 : index
    %swap3A_1089 = tpu.vector_load %arg7[%swap3A_1087, %swap3A_1088] {strides = array<i32>} : memref<5x512xf32, #tpu.memory_space<vmem>>, vector<16xf32>,
    tpu.vector_store %arg7[%swap3A_1087, %swap3A_1088], %gather3A_1085 {strides = array<i32>} : memref<5x512xf32, #tpu.memory_space<vmem>>, vector<16xf32>,
    %broadcast_in_dim3A_1090 = arith.constant 2 : i32
    %broadcast_in_dim3A_1091 = vector.broadcast %broadcast_in_dim3A_1090 : i32 to vector<16xi32>
    %gather3A_1092 = tpu.vector_load_idx %arg5[%broadcast_in_dim3A_1091, %get3A_1075] : memref<5x1024xf32, #tpu.memory_space<vmem>>[vector<16xi32>, vector<16xi32>], vector<16xf32>,
    %swap3A_1093 = arith.constant 2 : i32
    %swap3A_1094 = arith.index_cast %swap3A_1093 : i32 to index
    %swap3A_1095 = arith.constant 464 : index
    %swap3A_1096 = tpu.vector_load %arg7[%swap3A_1094, %swap3A_1095] {strides = array<i32>} : memref<5x512xf32, #tpu.memory_space<vmem>>, vector<16xf32>,
    tpu.vector_store %arg7[%swap3A_1094, %swap3A_1095], %gather3A_1092 {strides = array<i32>} : memref<5x512xf32, #tpu.memory_space<vmem>>, vector<16xf32>,
    %broadcast_in_dim3A_1097 = arith.constant 3 : i32
    %broadcast_in_dim3A_1098 = vector.broadcast %broadcast_in_dim3A_1097 : i32 to vector<16xi32>
    %gather3A_1099 = tpu.vector_load_idx %arg5[%broadcast_in_dim3A_1098, %get3A_1075] : memref<5x1024xf32, #tpu.memory_space<vmem>>[vector<16xi32>, vector<16xi32>], vector<16xf32>,
    %swap3A_1100 = arith.constant 3 : i32
    %swap3A_1101 = arith.index_cast %swap3A_1100 : i32 to index
    %swap3A_1102 = arith.constant 464 : index
    %swap3A_1103 = tpu.vector_load %arg7[%swap3A_1101, %swap3A_1102] {strides = array<i32>} : memref<5x512xf32, #tpu.memory_space<vmem>>, vector<16xf32>,
    tpu.vector_store %arg7[%swap3A_1101, %swap3A_1102], %gather3A_1099 {strides = array<i32>} : memref<5x512xf32, #tpu.memory_space<vmem>>, vector<16xf32>,
    %broadcast_in_dim3A_1104 = arith.constant 4 : i32
    %broadcast_in_dim3A_1105 = vector.broadcast %broadcast_in_dim3A_1104 : i32 to vector<16xi32>
    %gather3A_1106 = tpu.vector_load_idx %arg5[%broadcast_in_dim3A_1105, %get3A_1075] : memref<5x1024xf32, #tpu.memory_space<vmem>>[vector<16xi32>, vector<16xi32>], vector<16xf32>,
    %swap3A_1107 = arith.constant 4 : i32
    %swap3A_1108 = arith.index_cast %swap3A_1107 : i32 to index
    %swap3A_1109 = arith.constant 464 : index
    %swap3A_1110 = tpu.vector_load %arg7[%swap3A_1108, %swap3A_1109] {strides = array<i32>} : memref<5x512xf32, #tpu.memory_space<vmem>>, vector<16xf32>,
    tpu.vector_store %arg7[%swap3A_1108, %swap3A_1109], %gather3A_1106 {strides = array<i32>} : memref<5x512xf32, #tpu.memory_space<vmem>>, vector<16xf32>,
    %get3A_1111 = arith.constant 480 : index
    %get3A_1112 = tpu.vector_load %arg6[%get3A_1111] {strides = array<i32>} : memref<512xi32, #tpu.memory_space<vmem>>, vector<16xi32>,
    %broadcast_in_dim3A_1113 = arith.constant 0 : i32
    %broadcast_in_dim3A_1114 = vector.broadcast %broadcast_in_dim3A_1113 : i32 to vector<16xi32>
    %gather3A_1115 = tpu.vector_load_idx %arg5[%broadcast_in_dim3A_1114, %get3A_1112] : memref<5x1024xf32, #tpu.memory_space<vmem>>[vector<16xi32>, vector<16xi32>], vector<16xf32>,
    %swap3A_1116 = arith.constant 0 : i32
    %swap3A_1117 = arith.index_cast %swap3A_1116 : i32 to index
    %swap3A_1118 = arith.constant 480 : index
    %swap3A_1119 = tpu.vector_load %arg7[%swap3A_1117, %swap3A_1118] {strides = array<i32>} : memref<5x512xf32, #tpu.memory_space<vmem>>, vector<16xf32>,
    tpu.vector_store %arg7[%swap3A_1117, %swap3A_1118], %gather3A_1115 {strides = array<i32>} : memref<5x512xf32, #tpu.memory_space<vmem>>, vector<16xf32>,
    %broadcast_in_dim3A_1120 = arith.constant 1 : i32
    %broadcast_in_dim3A_1121 = vector.broadcast %broadcast_in_dim3A_1120 : i32 to vector<16xi32>
    %gather3A_1122 = tpu.vector_load_idx %arg5[%broadcast_in_dim3A_1121, %get3A_1112] : memref<5x1024xf32, #tpu.memory_space<vmem>>[vector<16xi32>, vector<16xi32>], vector<16xf32>,
    %swap3A_1123 = arith.constant 1 : i32
    %swap3A_1124 = arith.index_cast %swap3A_1123 : i32 to index
    %swap3A_1125 = arith.constant 480 : index
    %swap3A_1126 = tpu.vector_load %arg7[%swap3A_1124, %swap3A_1125] {strides = array<i32>} : memref<5x512xf32, #tpu.memory_space<vmem>>, vector<16xf32>,
    tpu.vector_store %arg7[%swap3A_1124, %swap3A_1125], %gather3A_1122 {strides = array<i32>} : memref<5x512xf32, #tpu.memory_space<vmem>>, vector<16xf32>,
    %broadcast_in_dim3A_1127 = arith.constant 2 : i32
    %broadcast_in_dim3A_1128 = vector.broadcast %broadcast_in_dim3A_1127 : i32 to vector<16xi32>
    %gather3A_1129 = tpu.vector_load_idx %arg5[%broadcast_in_dim3A_1128, %get3A_1112] : memref<5x1024xf32, #tpu.memory_space<vmem>>[vector<16xi32>, vector<16xi32>], vector<16xf32>,
    %swap3A_1130 = arith.constant 2 : i32
    %swap3A_1131 = arith.index_cast %swap3A_1130 : i32 to index
    %swap3A_1132 = arith.constant 480 : index
    %swap3A_1133 = tpu.vector_load %arg7[%swap3A_1131, %swap3A_1132] {strides = array<i32>} : memref<5x512xf32, #tpu.memory_space<vmem>>, vector<16xf32>,
    tpu.vector_store %arg7[%swap3A_1131, %swap3A_1132], %gather3A_1129 {strides = array<i32>} : memref<5x512xf32, #tpu.memory_space<vmem>>, vector<16xf32>,
    %broadcast_in_dim3A_1134 = arith.constant 3 : i32
    %broadcast_in_dim3A_1135 = vector.broadcast %broadcast_in_dim3A_1134 : i32 to vector<16xi32>
    %gather3A_1136 = tpu.vector_load_idx %arg5[%broadcast_in_dim3A_1135, %get3A_1112] : memref<5x1024xf32, #tpu.memory_space<vmem>>[vector<16xi32>, vector<16xi32>], vector<16xf32>,
    %swap3A_1137 = arith.constant 3 : i32
    %swap3A_1138 = arith.index_cast %swap3A_1137 : i32 to index
    %swap3A_1139 = arith.constant 480 : index
    %swap3A_1140 = tpu.vector_load %arg7[%swap3A_1138, %swap3A_1139] {strides = array<i32>} : memref<5x512xf32, #tpu.memory_space<vmem>>, vector<16xf32>,
    tpu.vector_store %arg7[%swap3A_1138, %swap3A_1139], %gather3A_1136 {strides = array<i32>} : memref<5x512xf32, #tpu.memory_space<vmem>>, vector<16xf32>,
    %broadcast_in_dim3A_1141 = arith.constant 4 : i32
    %broadcast_in_dim3A_1142 = vector.broadcast %broadcast_in_dim3A_1141 : i32 to vector<16xi32>
    %gather3A_1143 = tpu.vector_load_idx %arg5[%broadcast_in_dim3A_1142, %get3A_1112] : memref<5x1024xf32, #tpu.memory_space<vmem>>[vector<16xi32>, vector<16xi32>], vector<16xf32>,
    %swap3A_1144 = arith.constant 4 : i32
    %swap3A_1145 = arith.index_cast %swap3A_1144 : i32 to index
    %swap3A_1146 = arith.constant 480 : index
    %swap3A_1147 = tpu.vector_load %arg7[%swap3A_1145, %swap3A_1146] {strides = array<i32>} : memref<5x512xf32, #tpu.memory_space<vmem>>, vector<16xf32>,
    tpu.vector_store %arg7[%swap3A_1145, %swap3A_1146], %gather3A_1143 {strides = array<i32>} : memref<5x512xf32, #tpu.memory_space<vmem>>, vector<16xf32>,
    %get3A_1148 = arith.constant 496 : index
    %get3A_1149 = tpu.vector_load %arg6[%get3A_1148] {strides = array<i32>} : memref<512xi32, #tpu.memory_space<vmem>>, vector<16xi32>,
    %broadcast_in_dim3A_1150 = arith.constant 0 : i32
    %broadcast_in_dim3A_1151 = vector.broadcast %broadcast_in_dim3A_1150 : i32 to vector<16xi32>
    %gather3A_1152 = tpu.vector_load_idx %arg5[%broadcast_in_dim3A_1151, %get3A_1149] : memref<5x1024xf32, #tpu.memory_space<vmem>>[vector<16xi32>, vector<16xi32>], vector<16xf32>,
    %swap3A_1153 = arith.constant 0 : i32
    %swap3A_1154 = arith.index_cast %swap3A_1153 : i32 to index
    %swap3A_1155 = arith.constant 496 : index
    %swap3A_1156 = tpu.vector_load %arg7[%swap3A_1154, %swap3A_1155] {strides = array<i32>} : memref<5x512xf32, #tpu.memory_space<vmem>>, vector<16xf32>,
    tpu.vector_store %arg7[%swap3A_1154, %swap3A_1155], %gather3A_1152 {strides = array<i32>} : memref<5x512xf32, #tpu.memory_space<vmem>>, vector<16xf32>,
    %broadcast_in_dim3A_1157 = arith.constant 1 : i32
    %broadcast_in_dim3A_1158 = vector.broadcast %broadcast_in_dim3A_1157 : i32 to vector<16xi32>
    %gather3A_1159 = tpu.vector_load_idx %arg5[%broadcast_in_dim3A_1158, %get3A_1149] : memref<5x1024xf32, #tpu.memory_space<vmem>>[vector<16xi32>, vector<16xi32>], vector<16xf32>,
    %swap3A_1160 = arith.constant 1 : i32
    %swap3A_1161 = arith.index_cast %swap3A_1160 : i32 to index
    %swap3A_1162 = arith.constant 496 : index
    %swap3A_1163 = tpu.vector_load %arg7[%swap3A_1161, %swap3A_1162] {strides = array<i32>} : memref<5x512xf32, #tpu.memory_space<vmem>>, vector<16xf32>,
    tpu.vector_store %arg7[%swap3A_1161, %swap3A_1162], %gather3A_1159 {strides = array<i32>} : memref<5x512xf32, #tpu.memory_space<vmem>>, vector<16xf32>,
    %broadcast_in_dim3A_1164 = arith.constant 2 : i32
    %broadcast_in_dim3A_1165 = vector.broadcast %broadcast_in_dim3A_1164 : i32 to vector<16xi32>
    %gather3A_1166 = tpu.vector_load_idx %arg5[%broadcast_in_dim3A_1165, %get3A_1149] : memref<5x1024xf32, #tpu.memory_space<vmem>>[vector<16xi32>, vector<16xi32>], vector<16xf32>,
    %swap3A_1167 = arith.constant 2 : i32
    %swap3A_1168 = arith.index_cast %swap3A_1167 : i32 to index
    %swap3A_1169 = arith.constant 496 : index
    %swap3A_1170 = tpu.vector_load %arg7[%swap3A_1168, %swap3A_1169] {strides = array<i32>} : memref<5x512xf32, #tpu.memory_space<vmem>>, vector<16xf32>,
    tpu.vector_store %arg7[%swap3A_1168, %swap3A_1169], %gather3A_1166 {strides = array<i32>} : memref<5x512xf32, #tpu.memory_space<vmem>>, vector<16xf32>,
    %broadcast_in_dim3A_1171 = arith.constant 3 : i32
    %broadcast_in_dim3A_1172 = vector.broadcast %broadcast_in_dim3A_1171 : i32 to vector<16xi32>
    %gather3A_1173 = tpu.vector_load_idx %arg5[%broadcast_in_dim3A_1172, %get3A_1149] : memref<5x1024xf32, #tpu.memory_space<vmem>>[vector<16xi32>, vector<16xi32>], vector<16xf32>,
    %swap3A_1174 = arith.constant 3 : i32
    %swap3A_1175 = arith.index_cast %swap3A_1174 : i32 to index
    %swap3A_1176 = arith.constant 496 : index
    %swap3A_1177 = tpu.vector_load %arg7[%swap3A_1175, %swap3A_1176] {strides = array<i32>} : memref<5x512xf32, #tpu.memory_space<vmem>>, vector<16xf32>,
    tpu.vector_store %arg7[%swap3A_1175, %swap3A_1176], %gather3A_1173 {strides = array<i32>} : memref<5x512xf32, #tpu.memory_space<vmem>>, vector<16xf32>,
    %broadcast_in_dim3A_1178 = arith.constant 4 : i32
    %broadcast_in_dim3A_1179 = vector.broadcast %broadcast_in_dim3A_1178 : i32 to vector<16xi32>
    %gather3A_1180 = tpu.vector_load_idx %arg5[%broadcast_in_dim3A_1179, %get3A_1149] : memref<5x1024xf32, #tpu.memory_space<vmem>>[vector<16xi32>, vector<16xi32>], vector<16xf32>,
    %swap3A_1181 = arith.constant 4 : i32
    %swap3A_1182 = arith.index_cast %swap3A_1181 : i32 to index
    %swap3A_1183 = arith.constant 496 : index
    %swap3A_1184 = tpu.vector_load %arg7[%swap3A_1182, %swap3A_1183] {strides = array<i32>} : memref<5x512xf32, #tpu.memory_space<vmem>>, vector<16xf32>,
    tpu.vector_store %arg7[%swap3A_1182, %swap3A_1183], %gather3A_1180 {strides = array<i32>} : memref<5x512xf32, #tpu.memory_space<vmem>>, vector<16xf32>,
    "tpu.region"() ({
      %run_scoped3A = tpu.sem_alloc : memref<!tpu.dma_semaphore, #tpu.memory_space<semaphore_mem>>
      %dma_start3A_1185 = arith.constant 0 : i32
      %dma_start3A_1186 = tpu.memref_slice %arg4[%dma_start3A_1185, %mul3A_2] : memref<5x16384xf32, #tpu.memory_space<hbm>> -> memref<5x512xf32, #tpu.memory_space<hbm>>
      %dma_start3A_1187 = arith.constant 0 : i32
      %dma_start3A_1188 = tpu.memref_slice %arg4[%dma_start3A_1187, %mul3A_2] : memref<5x16384xf32, #tpu.memory_space<hbm>> -> memref<5x512xf32, #tpu.memory_space<hbm>>
      tpu.enqueue_dma source(%arg7 : memref<5x512xf32, #tpu.memory_space<vmem>>) target(%dma_start3A_1188 : memref<5x512xf32, #tpu.memory_space<hbm>>) target_semaphore(%run_scoped3A : memref<!tpu.dma_semaphore, #tpu.memory_space<semaphore_mem>>)
      %dma_wait3A_1189 = arith.constant 0 : i32
      %dma_wait3A_1190 = tpu.memref_slice %arg4[%dma_wait3A_1189, %mul3A_2] : memref<5x16384xf32, #tpu.memory_space<hbm>> -> memref<5x512xf32, #tpu.memory_space<hbm>>
      %dma_wait3A_1191 = arith.constant 0 : i32
      %dma_wait3A_1192 = tpu.memref_slice %arg4[%dma_wait3A_1191, %mul3A_2] : memref<5x16384xf32, #tpu.memory_space<hbm>> -> memref<5x512xf32, #tpu.memory_space<hbm>>
      tpu.wait_dma2 semaphore(%run_scoped3A : memref<!tpu.dma_semaphore, #tpu.memory_space<semaphore_mem>>) src(%arg7 : memref<5x512xf32, #tpu.memory_space<vmem>>) dst(%dma_wait3A_1192 : memref<5x512xf32, #tpu.memory_space<hbm>>)
      tpu.yield
    }) : () -> ()
    return
  }
}

module attributes {stable_mosaic.version = 14 : i64} {
  func.func @_tables_body(%arg0: memref<1x1000xf32, #tpu.memory_space<vmem>>, %arg1: memref<5x1024xf32, #tpu.memory_space<vmem>>) attributes {dimension_semantics = [], scalar_prefetch = 0 : i64, scratch_operands = 0 : i64, tpu.core_type = #tpu.core_type<tc>} {
    %get3A = arith.constant 0 : index
    %get3A_0 = arith.constant 0 : index
    %get3A_1 = vector.load %arg0[%get3A, %get3A_0] : memref<1x1000xf32, #tpu.memory_space<vmem>>, vector<1x1000xf32>
    %broadcast_in_dim3A = arith.constant 0.000000e+00 : f32
    %broadcast_in_dim3A_2 = vector.broadcast %broadcast_in_dim3A : f32 to vector<1x24xf32>
    %concatenate3A = tpu.concatenate %get3A_1, %broadcast_in_dim3A_2 in 1 : vector<1x1000xf32>, vector<1x24xf32> -> vector<1x1024xf32>
    %iota3A = tpu.iota {dimensions = array<i32: 1>} : vector<1x1024xi32>
    %sub3A = arith.constant 1.000000e+00 : f32
    %sub3A_3 = vector.broadcast %sub3A : f32 to vector<1x1024xf32>
    %sub3A_4 = arith.subf %sub3A_3, %concatenate3A : vector<1x1024xf32>
    %lt3A = arith.constant 1 : i32
    %lt3A_5 = vector.broadcast %lt3A : i32 to vector<1x1024xi32>
    %lt3A_6 = arith.cmpi slt, %iota3A, %lt3A_5 : vector<1x1024xi32>
    %roll3A = arith.constant 1 : i32
    %roll3A_7 = tpu.dynamic_rotate %sub3A_4 by %roll3A dim 1 : vector<1x1024xf32>, i32 -> vector<1x1024xf32>
    %jit3A = arith.constant 1.000000e+00 : f32
    %broadcast_in_dim3A_8 = vector.broadcast %jit3A : f32 to vector<1x1024xf32>
    %select_n3A = arith.select %lt3A_6, %broadcast_in_dim3A_8, %roll3A_7 : vector<1x1024xi1>, vector<1x1024xf32>
    %mul3A = arith.mulf %sub3A_4, %select_n3A : vector<1x1024xf32>
    %lt3A_9 = arith.constant 2 : i32
    %lt3A_10 = vector.broadcast %lt3A_9 : i32 to vector<1x1024xi32>
    %lt3A_11 = arith.cmpi slt, %iota3A, %lt3A_10 : vector<1x1024xi32>
    %roll3A_12 = arith.constant 2 : i32
    %roll3A_13 = tpu.dynamic_rotate %mul3A by %roll3A_12 dim 1 : vector<1x1024xf32>, i32 -> vector<1x1024xf32>
    %jit3A_14 = arith.constant 1.000000e+00 : f32
    %broadcast_in_dim3A_15 = vector.broadcast %jit3A_14 : f32 to vector<1x1024xf32>
    %select_n3A_16 = arith.select %lt3A_11, %broadcast_in_dim3A_15, %roll3A_13 : vector<1x1024xi1>, vector<1x1024xf32>
    %mul3A_17 = arith.mulf %mul3A, %select_n3A_16 : vector<1x1024xf32>
    %lt3A_18 = arith.constant 4 : i32
    %lt3A_19 = vector.broadcast %lt3A_18 : i32 to vector<1x1024xi32>
    %lt3A_20 = arith.cmpi slt, %iota3A, %lt3A_19 : vector<1x1024xi32>
    %roll3A_21 = arith.constant 4 : i32
    %roll3A_22 = tpu.dynamic_rotate %mul3A_17 by %roll3A_21 dim 1 : vector<1x1024xf32>, i32 -> vector<1x1024xf32>
    %jit3A_23 = arith.constant 1.000000e+00 : f32
    %broadcast_in_dim3A_24 = vector.broadcast %jit3A_23 : f32 to vector<1x1024xf32>
    %select_n3A_25 = arith.select %lt3A_20, %broadcast_in_dim3A_24, %roll3A_22 : vector<1x1024xi1>, vector<1x1024xf32>
    %mul3A_26 = arith.mulf %mul3A_17, %select_n3A_25 : vector<1x1024xf32>
    %lt3A_27 = arith.constant 8 : i32
    %lt3A_28 = vector.broadcast %lt3A_27 : i32 to vector<1x1024xi32>
    %lt3A_29 = arith.cmpi slt, %iota3A, %lt3A_28 : vector<1x1024xi32>
    %roll3A_30 = arith.constant 8 : i32
    %roll3A_31 = tpu.dynamic_rotate %mul3A_26 by %roll3A_30 dim 1 : vector<1x1024xf32>, i32 -> vector<1x1024xf32>
    %jit3A_32 = arith.constant 1.000000e+00 : f32
    %broadcast_in_dim3A_33 = vector.broadcast %jit3A_32 : f32 to vector<1x1024xf32>
    %select_n3A_34 = arith.select %lt3A_29, %broadcast_in_dim3A_33, %roll3A_31 : vector<1x1024xi1>, vector<1x1024xf32>
    %mul3A_35 = arith.mulf %mul3A_26, %select_n3A_34 : vector<1x1024xf32>
    %lt3A_36 = arith.constant 16 : i32
    %lt3A_37 = vector.broadcast %lt3A_36 : i32 to vector<1x1024xi32>
    %lt3A_38 = arith.cmpi slt, %iota3A, %lt3A_37 : vector<1x1024xi32>
    %roll3A_39 = arith.constant 16 : i32
    %roll3A_40 = tpu.dynamic_rotate %mul3A_35 by %roll3A_39 dim 1 : vector<1x1024xf32>, i32 -> vector<1x1024xf32>
    %jit3A_41 = arith.constant 1.000000e+00 : f32
    %broadcast_in_dim3A_42 = vector.broadcast %jit3A_41 : f32 to vector<1x1024xf32>
    %select_n3A_43 = arith.select %lt3A_38, %broadcast_in_dim3A_42, %roll3A_40 : vector<1x1024xi1>, vector<1x1024xf32>
    %mul3A_44 = arith.mulf %mul3A_35, %select_n3A_43 : vector<1x1024xf32>
    %lt3A_45 = arith.constant 32 : i32
    %lt3A_46 = vector.broadcast %lt3A_45 : i32 to vector<1x1024xi32>
    %lt3A_47 = arith.cmpi slt, %iota3A, %lt3A_46 : vector<1x1024xi32>
    %roll3A_48 = arith.constant 32 : i32
    %roll3A_49 = tpu.dynamic_rotate %mul3A_44 by %roll3A_48 dim 1 : vector<1x1024xf32>, i32 -> vector<1x1024xf32>
    %jit3A_50 = arith.constant 1.000000e+00 : f32
    %broadcast_in_dim3A_51 = vector.broadcast %jit3A_50 : f32 to vector<1x1024xf32>
    %select_n3A_52 = arith.select %lt3A_47, %broadcast_in_dim3A_51, %roll3A_49 : vector<1x1024xi1>, vector<1x1024xf32>
    %mul3A_53 = arith.mulf %mul3A_44, %select_n3A_52 : vector<1x1024xf32>
    %lt3A_54 = arith.constant 64 : i32
    %lt3A_55 = vector.broadcast %lt3A_54 : i32 to vector<1x1024xi32>
    %lt3A_56 = arith.cmpi slt, %iota3A, %lt3A_55 : vector<1x1024xi32>
    %roll3A_57 = arith.constant 64 : i32
    %roll3A_58 = tpu.dynamic_rotate %mul3A_53 by %roll3A_57 dim 1 : vector<1x1024xf32>, i32 -> vector<1x1024xf32>
    %jit3A_59 = arith.constant 1.000000e+00 : f32
    %broadcast_in_dim3A_60 = vector.broadcast %jit3A_59 : f32 to vector<1x1024xf32>
    %select_n3A_61 = arith.select %lt3A_56, %broadcast_in_dim3A_60, %roll3A_58 : vector<1x1024xi1>, vector<1x1024xf32>
    %mul3A_62 = arith.mulf %mul3A_53, %select_n3A_61 : vector<1x1024xf32>
    %lt3A_63 = arith.constant 128 : i32
    %lt3A_64 = vector.broadcast %lt3A_63 : i32 to vector<1x1024xi32>
    %lt3A_65 = arith.cmpi slt, %iota3A, %lt3A_64 : vector<1x1024xi32>
    %roll3A_66 = arith.constant 128 : i32
    %roll3A_67 = tpu.dynamic_rotate %mul3A_62 by %roll3A_66 dim 1 : vector<1x1024xf32>, i32 -> vector<1x1024xf32>
    %jit3A_68 = arith.constant 1.000000e+00 : f32
    %broadcast_in_dim3A_69 = vector.broadcast %jit3A_68 : f32 to vector<1x1024xf32>
    %select_n3A_70 = arith.select %lt3A_65, %broadcast_in_dim3A_69, %roll3A_67 : vector<1x1024xi1>, vector<1x1024xf32>
    %mul3A_71 = arith.mulf %mul3A_62, %select_n3A_70 : vector<1x1024xf32>
    %lt3A_72 = arith.constant 256 : i32
    %lt3A_73 = vector.broadcast %lt3A_72 : i32 to vector<1x1024xi32>
    %lt3A_74 = arith.cmpi slt, %iota3A, %lt3A_73 : vector<1x1024xi32>
    %roll3A_75 = arith.constant 256 : i32
    %roll3A_76 = tpu.dynamic_rotate %mul3A_71 by %roll3A_75 dim 1 : vector<1x1024xf32>, i32 -> vector<1x1024xf32>
    %jit3A_77 = arith.constant 1.000000e+00 : f32
    %broadcast_in_dim3A_78 = vector.broadcast %jit3A_77 : f32 to vector<1x1024xf32>
    %select_n3A_79 = arith.select %lt3A_74, %broadcast_in_dim3A_78, %roll3A_76 : vector<1x1024xi1>, vector<1x1024xf32>
    %mul3A_80 = arith.mulf %mul3A_71, %select_n3A_79 : vector<1x1024xf32>
    %lt3A_81 = arith.constant 512 : i32
    %lt3A_82 = vector.broadcast %lt3A_81 : i32 to vector<1x1024xi32>
    %lt3A_83 = arith.cmpi slt, %iota3A, %lt3A_82 : vector<1x1024xi32>
    %roll3A_84 = arith.constant 512 : i32
    %roll3A_85 = tpu.dynamic_rotate %mul3A_80 by %roll3A_84 dim 1 : vector<1x1024xf32>, i32 -> vector<1x1024xf32>
    %jit3A_86 = arith.constant 1.000000e+00 : f32
    %broadcast_in_dim3A_87 = vector.broadcast %jit3A_86 : f32 to vector<1x1024xf32>
    %select_n3A_88 = arith.select %lt3A_83, %broadcast_in_dim3A_87, %roll3A_85 : vector<1x1024xi1>, vector<1x1024xf32>
    %mul3A_89 = arith.mulf %mul3A_80, %select_n3A_88 : vector<1x1024xf32>
    %lt3A_90 = arith.constant 1 : i32
    %lt3A_91 = vector.broadcast %lt3A_90 : i32 to vector<1x1024xi32>
    %lt3A_92 = arith.cmpi slt, %iota3A, %lt3A_91 : vector<1x1024xi32>
    %roll3A_93 = arith.constant 1 : i32
    %roll3A_94 = tpu.dynamic_rotate %mul3A_89 by %roll3A_93 dim 1 : vector<1x1024xf32>, i32 -> vector<1x1024xf32>
    %jit3A_95 = arith.constant 1.000000e+00 : f32
    %broadcast_in_dim3A_96 = vector.broadcast %jit3A_95 : f32 to vector<1x1024xf32>
    %select_n3A_97 = arith.select %lt3A_92, %broadcast_in_dim3A_96, %roll3A_94 : vector<1x1024xi1>, vector<1x1024xf32>
    %sub3A_98 = arith.constant 1.000000e+00 : f32
    %sub3A_99 = vector.broadcast %sub3A_98 : f32 to vector<1x1024xf32>
    %sub3A_100 = arith.subf %sub3A_99, %select_n3A_97 : vector<1x1024xf32>
    %sub3A_101 = arith.constant 1.000000e+00 : f32
    %sub3A_102 = vector.broadcast %sub3A_101 : f32 to vector<1x1024xf32>
    %sub3A_103 = arith.subf %sub3A_102, %mul3A_89 : vector<1x1024xf32>
    %div3A = arith.divf %sub3A_100, %sub3A_103 : vector<1x1024xf32>
    %mul3A_104 = arith.mulf %div3A, %concatenate3A : vector<1x1024xf32>
    %swap3A = arith.constant 0 : index
    %swap3A_105 = arith.constant 0 : index
    %swap3A_106 = vector.load %arg1[%swap3A, %swap3A_105] : memref<5x1024xf32, #tpu.memory_space<vmem>>, vector<1x1024xf32>
    tpu.vector_store %arg1[%swap3A, %swap3A_105], %sub3A_4 {strides = array<i32>} : memref<5x1024xf32, #tpu.memory_space<vmem>>, vector<1x1024xf32>,
    %swap3A_107 = arith.constant 1 : index
    %swap3A_108 = arith.constant 0 : index
    %swap3A_109 = vector.load %arg1[%swap3A_107, %swap3A_108] : memref<5x1024xf32, #tpu.memory_space<vmem>>, vector<1x1024xf32>
    tpu.vector_store %arg1[%swap3A_107, %swap3A_108], %mul3A_89 {strides = array<i32>} : memref<5x1024xf32, #tpu.memory_space<vmem>>, vector<1x1024xf32>,
    %swap3A_110 = arith.constant 2 : index
    %swap3A_111 = arith.constant 0 : index
    %swap3A_112 = vector.load %arg1[%swap3A_110, %swap3A_111] : memref<5x1024xf32, #tpu.memory_space<vmem>>, vector<1x1024xf32>
    tpu.vector_store %arg1[%swap3A_110, %swap3A_111], %concatenate3A {strides = array<i32>} : memref<5x1024xf32, #tpu.memory_space<vmem>>, vector<1x1024xf32>,
    %swap3A_113 = arith.constant 3 : index
    %swap3A_114 = arith.constant 0 : index
    %swap3A_115 = vector.load %arg1[%swap3A_113, %swap3A_114] : memref<5x1024xf32, #tpu.memory_space<vmem>>, vector<1x1024xf32>
    tpu.vector_store %arg1[%swap3A_113, %swap3A_114], %mul3A_104 {strides = array<i32>} : memref<5x1024xf32, #tpu.memory_space<vmem>>, vector<1x1024xf32>,
    %sqrt3A = math.sqrt %concatenate3A : vector<1x1024xf32>
    %swap3A_116 = arith.constant 4 : index
    %swap3A_117 = arith.constant 0 : index
    %swap3A_118 = vector.load %arg1[%swap3A_116, %swap3A_117] : memref<5x1024xf32, #tpu.memory_space<vmem>>, vector<1x1024xf32>
    tpu.vector_store %arg1[%swap3A_116, %swap3A_117], %sqrt3A {strides = array<i32>} : memref<5x1024xf32, #tpu.memory_space<vmem>>, vector<1x1024xf32>,
    return
  }
}

</mosaic_0001>

<sc_bundles>
// kernel: kernel.4.cloned.1.call-start
scs
__scs_entry_jumppad:
0x0: {  	(pc) =	sbr.rel $0x88, $3  }
0x1: {  	(tag) =	ssettag $0x0;
	lr =	simm.s32 $0x1  }
0x2: {  	[smem:$0x3F9F] =	sst lr;
	_ =	strace $0xD0000000  }
0x3: {  	_ = 	snop  }
0x4: {  	_ = 	snop  }
0x5: {  	_ = 	snop  }
0x6: {  	_ = 	snop  }
0x7: {  	_ = 	snop  }
__scs_overlays_trampoline_lowered:
0x8: {  	[smem:$0x3FAE] =	sst s0  }
0x9: {  	[smem:$0x3FAF] =	sst s1  }
0xa: {  	[smem:$0x3FB0] =	sst s2  }
0xb: {  	[smem:$0x3FB1] =	sst s3  }
0xc: {  	[smem:$0x3FB2] =	sst s4  }
0xd: {  	[smem:$0x3FB3] =	sst s5  }
0xe: {  	[smem:$0x3FB4] =	sst s6  }
0xf: {  	[smem:$0x3FB5] =	sst s7  }
0x10: {  	[smem:$0x3FB6] =	sst s8  }
0x11: {  	[smem:$0x3FB7] =	sst s9;
	s0 =	simm.s32 @!p0 $0x0  }
0x12: {  	s1 =	sld [smem:$0x3F9D];
	s0 =	simm.s32 @p0 $0x1  }
0x13: {  	[smem:$0x3FB8] =	sst s0;
	s0 =	simm.s32 @!p1 $0x0  }
0x14: {  	s2 =	sld [smem:$0x3F9C];
	s0 =	simm.s32 @p1 $0x1  }
0x15: {  	[smem:$0x3FB9] =	sst s0;
	s0 =	simm.s32 @!p2 $0x0  }
0x16: {  	s3 =	sld [smem:$0x3FDB];
	s0 =	simm.s32 @p2 $0x1  }
0x17: {  	s4 =	simm.s32 $0x1BF5;
	[smem:$0x3FBB] =	sst s0  }
0x18: {  	s0 =	sld [smem:$0x3F9E];
	_ =	swait.ge [sflag:s4], $0x0  }
0x19: {  	s7 =	sld [smem:$0x3F9F]  }
0x1a: {  	s8 =	sadd.s32 $0xFFFFE003, lr  }
0x1b: {  	s9 =	sadd.s32 $0xFFFFFEF7, lr;
	s5 =	simm.s32 $0xFFFFFFFF;
	p2 =	slt.u32 s8, $0xFFFFF086  }
0x1c: {  	p1 =	slt.u32 s9, $0xF7A;
	s5 =	simm.s32 @!p2 $0x0  }
0x1d: {  	s5 =	simm.s32 @p1 $0x1;
	p0 =	seq.s32 s7, s2  }
0x1e: {  	s7 =	smul.u32 @!p0 $0xF7A, s2;
	p2 =	seq.s32 @!p0 s5, $0x0  }
0x1f: {  	s9 =	smul.u32 $0xF7A, s1;
	s8 =	simm.s32 @!p0 $0x1BF5;
	p2 =	por !p2, p0  }
0x20: {  	[sflag:s8] =	ssyncset.s32 @!p0 $0xFFFFF086;
	s6 =	sadd.s32 @!p0 s3, s7;
	s7 =	simm.s32 @!p0 $0x108  }
0x21: {  	s3 =	sadd.s32 s3, s9;
	s6 =	sadd.s32 @!p0 $0x88, s6;
	s7 =	simm.s32 @p2 $0x1082  }
0x22: {  	[simem:s7], [sflag:s8] =	dma.local @!p0 [hbm:s6], $0xF7A  }
0x23: {  	s9 =	sor.u32 $0xD0000000, s2;
	s6 =	simm.s32 $0x108;
	_ =	swait.ge @!p0 [sflag:s8], $0x0  }
0x24: {  	s3 =	sadd.s32 $0x88, s3;
	s6 =	simm.s32 @!p1 $0x1082;
	[sflag:s4] =	ssyncset.s32 $0xFFFFF086  }
0x25: {  	[simem:s6], [sflag:s4] =	dma.local [hbm:s3], $0xF7A  }
0x26: {  	[smem:$0x3F9F] =	sst s1;
	(tag) =	ssettag s2;
	_ =	strace s9  }
0x27: {  	s1 =	sld [smem:$0x3FAF]  }
0x28: {  	s2 =	sld [smem:$0x3FB0]  }
0x29: {  	s4 =	sld [smem:$0x3FB2]  }
0x2a: {  	p0 =	seq.s32 s5, $0x0;
	s5 =	sld [smem:$0x3FB3]  }
0x2b: {  	s6 =	sld [smem:$0x3FB4]  }
0x2c: {  	s7 =	sld [smem:$0x3FB5]  }
0x2d: {  	s3 =	simm.s32 $0x108;
	s8 =	sld [smem:$0x3FB6]  }
0x2e: {  	s3 =	simm.s32 @!p0 $0x1082;
	s9 =	sld [smem:$0x3FB7]  }
0x2f: {  	lr =	sadd.s32 s0, s3;
	s0 =	sld [smem:$0x3FAE]  }
0x30: {  	s3 =	sld [smem:$0x3FB1]  }
0x31: {  	[smem:$0x3FBA] =	sst s10  }
0x32: {  	s10 =	sld [smem:$0x3FB8];
	_ =	sdelay $0x3  }
0x33: {  	p0 =	seq.s32 s10, $0x1;
	s10 =	sld [smem:$0x3FBA];
	_ =	sdelay $0x3  }
0x34: {  	[smem:$0x3FBA] =	sst s10  }
0x35: {  	s10 =	sld [smem:$0x3FB9];
	_ =	sdelay $0x3  }
0x36: {  	p1 =	seq.s32 s10, $0x1;
	s10 =	sld [smem:$0x3FBA];
	_ =	sdelay $0x3  }
0x37: {  	[smem:$0x3FBA] =	sst s10  }
0x38: {  	s10 =	sld [smem:$0x3FBB]  }
0x39: {  	_ = 	snop;
	(pc) =	sbr.ind lr, $3  }
0x3a: {  	_ = 	snop  }
0x3b: {  	_ = 	snop  }
0x3c: {  	p2 =	seq.s32 s10, $0x1;
	s10 =	sld [smem:$0x3FBA]  }
0x3d: {  	_ =	shalt  }
0x3e: {  	_ =	shalt  }
0x3f: {  	_ =	shalt  }
0x40: {  	_ =	shalt  }
0x41: {  	_ =	shalt  }
0x42: {  	_ =	shalt  }
0x43: {  	_ =	shalt  }
0x44: {  	_ =	shalt  }
0x45: {  	_ =	shalt  }
0x46: {  	_ =	shalt  }
0x47: {  	_ =	shalt  }
0x48: {  	_ =	shalt  }
0x49: {  	_ =	shalt  }
0x4a: {  	_ =	shalt  }
0x4b: {  	_ =	shalt  }
0x4c: {  	_ =	shalt  }
0x4d: {  	_ =	shalt  }
0x4e: {  	_ =	shalt  }
0x4f: {  	_ =	shalt  }
0x50: {  	_ =	shalt  }
0x51: {  	_ =	shalt  }
0x52: {  	_ =	shalt  }
0x53: {  	_ =	shalt  }
0x54: {  	_ =	shalt  }
0x55: {  	_ =	shalt  }
0x56: {  	_ =	shalt  }
0x57: {  	_ =	shalt  }
0x58: {  	_ =	shalt  }
0x59: {  	_ =	shalt  }
0x5a: {  	_ =	shalt  }
0x5b: {  	_ =	shalt  }
0x5c: {  	_ =	shalt  }
0x5d: {  	_ =	shalt  }
0x5e: {  	_ =	shalt  }
0x5f: {  	_ =	shalt  }
0x60: {  	_ =	shalt  }
0x61: {  	_ =	shalt  }
0x62: {  	_ =	shalt  }
0x63: {  	_ =	shalt  }
0x64: {  	_ =	shalt  }
0x65: {  	_ =	shalt  }
0x66: {  	_ =	shalt  }
0x67: {  	_ =	shalt  }
0x68: {  	_ =	shalt  }
0x69: {  	_ =	shalt  }
0x6a: {  	_ =	shalt  }
0x6b: {  	_ =	shalt  }
0x6c: {  	_ =	shalt  }
0x6d: {  	_ =	shalt  }
0x6e: {  	_ =	shalt  }
0x6f: {  	_ =	shalt  }
0x70: {  	_ =	shalt  }
0x71: {  	_ =	shalt  }
0x72: {  	_ =	shalt  }
0x73: {  	_ =	shalt  }
0x74: {  	_ =	shalt  }
0x75: {  	_ =	shalt  }
0x76: {  	_ =	shalt  }
0x77: {  	_ =	shalt  }
0x78: {  	_ =	shalt  }
0x79: {  	_ =	shalt  }
0x7a: {  	_ =	shalt  }
0x7b: {  	_ =	shalt  }
0x7c: {  	_ =	shalt  }
0x7d: {  	_ =	shalt  }
0x7e: {  	_ =	shalt  }
0x7f: {  	_ =	shalt  }
0x80: {  	_ =	shalt  }
0x81: {  	_ =	shalt  }
0x82: {  	_ =	shalt  }
0x83: {  	_ =	shalt  }
0x84: {  	_ =	shalt  }
0x85: {  	_ =	shalt  }
0x86: {  	_ =	shalt  }
0x87: {  	_ =	shalt  }
.Lfunc_end0:
.L_simem_size_0:
called_computation_lowered:
.L_overlay_start_0:
0x88: {  	s2 =	sld [smem:$0x3FD9]  }
0x89: {  	s3 =	sld [smem:$0x3FFE];
	_ =	sdelay $0x1  }
0x8a: {  	s1 =	srdreg.scid  }
0x8b: {  	s0 =	sand.u32 $0x1, s1  }
0x8c: {  	s17 =	sshll.u32 s0, $0xA;
	s2 =	sadd.s32 s3, s2  }
0x8d: {  	s2 =	sadd.s32 s2, s17  }
0x8e: {  	[smem:$0x3FC6] =	sst s2  }
0x8f: {  	_ = 	snop  }
0x90: {  	s2 =	sld [smem:$0x3FC9]  }
0x91: {  	s18 =	sld [smem:$0x3FD0];
	(tm) =	ssettm $0x1  }
0x92: {  	s4 =	sld [smem:$0x3FFB];
	_ =	sdelay $0x3  }
0x93: {  	_ =	strace s4  }
0x94: {  	s4 =	sld [smem:$0x3FFC];
	_ =	sdelay $0x3  }
0x95: {  	_ =	strace s4  }
0x96: {  	s4 =	sld [smem:$0x3FFD];
	_ =	sdelay $0x3  }
0x97: {  	_ =	strace s4  }
0x98: {  	_ =	strace $0x8FFFFFFF  }
0x99: {  	s19 =	sld [smem:$0x3FDB];
	_ =	sdelay $0x1  }
0x9a: {  	s5 =	simm.s32 $_scs_section_size  }
0x9b: {  	s6 =	simm.s32 $_size__tile_overlayer_lowered;
	s7 =	simm.s32 $_tile_overlayer_lowered  }
0x9c: {  	s22 =	simm.s32 $0x1BFF;
	s21 =	sshll.u32 s7, $0x1;
	s4 =	sadd.s32 s5, s19  }
0x9d: {  	s8 =	simm.s32 $0x0;
	s20 =	sshll.u32 s6, $0x1;
	s6 =	sadd.s32 s21, s4  }
0x9e: {  	[timem:s8], [sflag:s22] =	dma.local [hbm:s6], s20  }
0x9f: {  	_ =	swait.ge [sflag:s22], s20  }
0xa0: {  	s5 =	ssub.s32 $0x0, s20;
	[sflag:s22] =	ssyncset.done $0x0  }
0xa1: {  	[sflag:s22] =	ssyncadd.s32 s5;
	_ =	sdelay $0x1  }
0xa2: {  	s23 =	simm.s32 $0x1B8B  }
0xa3: {  	_ =	swait.ge [sflag:s23], $0x1  }
0xa4: {  	[sflag:s23] =	ssyncset.done $0x0  }
0xa5: {  	s25 =	simm.s32 $0x1B8E;
	s24 =	sld [smem:$0x3FFE];
	[sflag:s23] =	ssyncadd.s32 $0xFFFFFFFF  }
0xa6: {  	s26 =	simm.s32 $execute0_lowered;
	[smem:$0x3FD2] =	sst s25  }
0xa7: {  	s6 =	sshll.u32 s26, $0x1;
	_ =	strace $0x80000046;
	[dreg:$0x1] =	wrdreg $0xFFFFFFFF  }
0xa8: {  	s28 =	simm.s32 $_size_execute0_lowered;
	s4 =	sadd.s32 s4, s6;
	[dreg:$0x0] =	wrdreg $0x0  }
0xa9: {  	s6 =	sshll.u32 s28, $0x1;
	[dreg:$0x2] =	wrdreg s4  }
0xaa: {  	[dreg:$0x3] =	wrdreg s6  }
0xab: {  	[dreg:$0x4] =	wrdreg $0xC0  }
0xac: {  	_ =	task [dreg:s8], $0x5FFFF  }
0xad: {  	[dreg:$0x1] =	wrdreg $0xFFFFFFFF  }
0xae: {  	[dreg:$0x0] =	wrdreg $0x60  }
0xaf: {  	[dreg:$0x2] =	wrdreg s24  }
0xb0: {  	[dreg:$0x3] =	wrdreg s2  }
0xb1: {  	[dreg:$0x4] =	wrdreg s18  }
0xb2: {  	[dreg:$0x5] =	wrdreg $0x9  }
0xb3: {  	_ =	task.clear_ibuf [dreg:s8], $0x6FFFF;
	_ =	strace $0x90000046  }
0xb4: {  	s29 =	simm.s32 $0x9;
	_ =	strace $0x80000048  }
0xb5: {  	_ =	swait.ge [sflag:s29], $0x1  }
0xb6: {  	[sflag:s29] =	ssyncadd.s32 $0xFFFFFFFF  }
0xb7: {  	_ =	strace $0x90000048  }
0xb8: {  	_ =	sfence  }
0xb9: {  	s30 =	sld [smem:$0x0];
	_ =	sdelay $0x2  }
0xba: {  	s31 =	sshll.u32 s1, $0xD;
	s1 =	sshrl.u32 s1, $0x2  }
0xbb: {  	s3 =	sand.u32 $0x4000, s31;
	s1 =	sadd.s32 s1, s30  }
0xbc: {  	s0 =	sor.u32 s3, s0;
	s1 =	sshll.u32 s1, $0x11  }
0xbd: {  	s0 =	sor.u32 s1, s0  }
0xbe: {  	s0 =	sadd.s32 $0x8F2B, s0  }
0xbf: {  	[sflag:s0] =	ssyncadd.remote.s32 $0x1  }
0xc0: {  	_ =	sfence.sel $0xFFFF  }
0xc1: {  	[dreg:$0x0] =	wrdreg $0xFFFFFFFF;
	(pc) =	sbr.abs _section_cstart, $3  }
0xc2: {  	[dreg:$0x1] =	wrdreg $0xFFFFFFFF  }
0xc3: {  	_ =	task.clear_ibuf [dreg:s8], $0x2FFFF;
	_ =	strace $0x9FFFFFFF  }
0xc4: {  	(tm) =	ssettm $0x7FFFFFFF  }
0xc5: {  	_ =	shalt  }
tec
execute0_lowered:
.L_overlay_start_1:
0x0: {  	(tag) =	ssettag $0x1  }
0x1: {  	s3 =	rddreg [dreg:$0x0]  }
0x2: {  	s4 =	rddreg [dreg:$0x1]  }
0x3: {  	s5 =	rddreg [dreg:$0x2]  }
0x4: {  	s0 =	rddreg [dreg:$0x3];
	s6 =	srdreg.scid  }
0x5: {  	s2 =	simm.s32 $0x0;
	s1 =	stileid.u32;
	s10 =	simm.s32 $0x2200  }
0x6: {  	s11 =	simm.s32 $0x3;
	s6 =	sand.u32 $0x1, s6;
	[smem:$0x7FF] =	sst s2  }
0x7: {  	s7 =	sshll.u32 s1, $0xA;
	s3 =	sadd.s32 $0x800, s3;
	s8 =	sshll.u32 s6, $0x9  }
0x8: {  	_ =	strace $0x80000047;
	s6 =	ssub.s32 $0x2, s6;
	s7 =	sor.u32 s8, s7  }
0x9: {  	s31 =	sshrl.u32 s6, $0x1;
	s8 =	simm.s32 $0x1;
	s9 =	sshrl.u32 s7, $0x3  }
0xa: {  	s6 =	ssub.s32 s6, s31;
	s5 =	sadd.s32 s5, s7;
	s7 =	simm.s32 $0x2000  }
0xb: {  	s4 =	sadd.s32 s4, s9;
	s6 =	smax.u32 s6, $0x1;
	s9 =	simm.s32 $0x2  }
.LBB2_1:
0xc: {  	[tilespmem:s2], [sflag:$0x1] =	stream.linear.gather [hbm4b:s3+s2], $0x2000, $0x38;
	[tilespmem:$0x3200] =	vst v63  }
0xd: {  	_ = 	snop  }
0xe: {  	[tilespmem:s7], [sflag:$0x2] =	stream.linear.gather [hbm4b:s4+s2], $0x200, $0x38;
	[tilespmem:$0x3200] =	vst v63  }
0xf: {  	_ =	swait.ge [sflag:s8], $0x2000  }
0x10: {  	[sflag:s8] =	ssyncset.done $0x0  }
0x11: {  	[sflag:s8] =	ssyncadd.s32 $0xFFFFE000  }
0x12: {  	_ =	swait.ge [sflag:s9], $0x200  }
0x13: {  	[sflag:s9] =	ssyncset.done $0x0  }
0x14: {  	[sflag:s9] =	ssyncadd.s32 $0xFFFFFE00  }
0x15: {  	v0 =	vld [tilespmem:$0x2000];
	_ =	sdelay $0x4  }
0x16: {  	v1 =	vshll.u32 v0, $0x3  }
0x17: {  	v0 =	vand.u32 $0x7F, v0;
	v1 =	vand.u32 $0xFFFFFC00, v1  }
0x18: {  	v0 =	vor.u32 v0, v1;
	_ =	sdelay $0x4  }
0x19: {  	v1 =	vld.idx.msk [tilespmem:v0+s2+$0x0], $0xffff  }
0x1a: {  	v2 =	vor.u32 $0x80, v0;
	_ =	sdelay $0x3  }
0x1b: {  	[tilespmem:$0x2200] =	vst v1  }
0x1c: {  	v1 =	vld.idx.msk [tilespmem:v2+s2+$0x0], $0xffff  }
0x1d: {  	v58 =	vor.u32 $0x100, v0;
	_ =	sdelay $0x3  }
0x1e: {  	[tilespmem:$0x2280] =	vst v1  }
0x1f: {  	v1 =	vld.idx.msk [tilespmem:v58+s2+$0x0], $0xffff  }
0x20: {  	v59 =	vor.u32 $0x180, v0;
	_ =	sdelay $0x3  }
0x21: {  	v60 =	vld [tilespmem:$0x2010];
	[tilespmem:$0x2300] =	vst v1  }
0x22: {  	v1 =	vld.idx.msk [tilespmem:v59+s2+$0x0], $0xffff  }
0x23: {  	v0 =	vor.u32 $0x200, v0;
	_ =	sdelay $0x3  }
0x24: {  	v61 =	vshll.u32 v60, $0x3;
	[tilespmem:$0x2380] =	vst v1  }
0x25: {  	v2 =	vand.u32 $0x7F, v60;
	v1 =	vand.u32 $0xFFFFFC00, v61;
	v0 =	vld.idx.msk [tilespmem:v0+s2+$0x0], $0xffff  }
0x26: {  	v1 =	vor.u32 v2, v1;
	_ =	sdelay $0x3  }
0x27: {  	[tilespmem:$0x2400] =	vst v0  }
0x28: {  	v0 =	vld.idx.msk [tilespmem:v1+s2+$0x0], $0xffff  }
0x29: {  	v2 =	vor.u32 $0x80, v1;
	_ =	sdelay $0x3  }
0x2a: {  	[tilespmem:$0x2210] =	vst v0  }
0x2b: {  	v0 =	vld.idx.msk [tilespmem:v2+s2+$0x0], $0xffff  }
0x2c: {  	v62 =	vor.u32 $0x100, v1;
	_ =	sdelay $0x3  }
0x2d: {  	[tilespmem:$0x2290] =	vst v0  }
0x2e: {  	v0 =	vld.idx.msk [tilespmem:v62+s2+$0x0], $0xffff  }
0x2f: {  	v63 =	vor.u32 $0x180, v1;
	_ =	sdelay $0x3  }
0x30: {  	v4 =	vld [tilespmem:$0x2020];
	[tilespmem:$0x2310] =	vst v0  }
0x31: {  	v0 =	vld.idx.msk [tilespmem:v63+s2+$0x0], $0xffff  }
0x32: {  	v1 =	vor.u32 $0x200, v1;
	_ =	sdelay $0x3  }
0x33: {  	v5 =	vshll.u32 v4, $0x3;
	[tilespmem:$0x2390] =	vst v0  }
0x34: {  	v2 =	vand.u32 $0x7F, v4;
	v0 =	vand.u32 $0xFFFFFC00, v5;
	v1 =	vld.idx.msk [tilespmem:v1+s2+$0x0], $0xffff  }
0x35: {  	v0 =	vor.u32 v2, v0;
	_ =	sdelay $0x3  }
0x36: {  	[tilespmem:$0x2410] =	vst v1  }
0x37: {  	v1 =	vld.idx.msk [tilespmem:v0+s2+$0x0], $0xffff  }
0x38: {  	v2 =	vor.u32 $0x80, v0;
	_ =	sdelay $0x3  }
0x39: {  	[tilespmem:$0x2220] =	vst v1  }
0x3a: {  	v1 =	vld.idx.msk [tilespmem:v2+s2+$0x0], $0xffff  }
0x3b: {  	v6 =	vor.u32 $0x100, v0;
	_ =	sdelay $0x3  }
0x3c: {  	[tilespmem:$0x22A0] =	vst v1  }
0x3d: {  	v1 =	vld.idx.msk [tilespmem:v6+s2+$0x0], $0xffff  }
0x3e: {  	v7 =	vor.u32 $0x180, v0;
	_ =	sdelay $0x3  }
0x3f: {  	v8 =	vld [tilespmem:$0x2030];
	[tilespmem:$0x2320] =	vst v1  }
0x40: {  	v1 =	vld.idx.msk [tilespmem:v7+s2+$0x0], $0xffff  }
0x41: {  	v0 =	vor.u32 $0x200, v0;
	_ =	sdelay $0x3  }
0x42: {  	v9 =	vshll.u32 v8, $0x3;
	[tilespmem:$0x23A0] =	vst v1  }
0x43: {  	v2 =	vand.u32 $0x7F, v8;
	v1 =	vand.u32 $0xFFFFFC00, v9;
	v0 =	vld.idx.msk [tilespmem:v0+s2+$0x0], $0xffff  }
0x44: {  	v1 =	vor.u32 v2, v1;
	_ =	sdelay $0x3  }
0x45: {  	[tilespmem:$0x2420] =	vst v0  }
0x46: {  	v0 =	vld.idx.msk [tilespmem:v1+s2+$0x0], $0xffff  }
0x47: {  	v2 =	vor.u32 $0x80, v1;
	_ =	sdelay $0x3  }
0x48: {  	[tilespmem:$0x2230] =	vst v0  }
0x49: {  	v0 =	vld.idx.msk [tilespmem:v2+s2+$0x0], $0xffff  }
0x4a: {  	v10 =	vor.u32 $0x100, v1;
	_ =	sdelay $0x3  }
0x4b: {  	[tilespmem:$0x22B0] =	vst v0  }
0x4c: {  	v0 =	vld.idx.msk [tilespmem:v10+s2+$0x0], $0xffff  }
0x4d: {  	v11 =	vor.u32 $0x180, v1;
	_ =	sdelay $0x3  }
0x4e: {  	v12 =	vld [tilespmem:$0x2040];
	[tilespmem:$0x2330] =	vst v0  }
0x4f: {  	v0 =	vld.idx.msk [tilespmem:v11+s2+$0x0], $0xffff  }
0x50: {  	v1 =	vor.u32 $0x200, v1;
	_ =	sdelay $0x3  }
0x51: {  	v13 =	vshll.u32 v12, $0x3;
	[tilespmem:$0x23B0] =	vst v0  }
0x52: {  	v2 =	vand.u32 $0x7F, v12;
	v0 =	vand.u32 $0xFFFFFC00, v13;
	v1 =	vld.idx.msk [tilespmem:v1+s2+$0x0], $0xffff  }
0x53: {  	v0 =	vor.u32 v2, v0;
	_ =	sdelay $0x3  }
0x54: {  	[tilespmem:$0x2430] =	vst v1  }
0x55: {  	v1 =	vld.idx.msk [tilespmem:v0+s2+$0x0], $0xffff  }
0x56: {  	v2 =	vor.u32 $0x80, v0;
	_ =	sdelay $0x3  }
0x57: {  	[tilespmem:$0x2240] =	vst v1  }
0x58: {  	v1 =	vld.idx.msk [tilespmem:v2+s2+$0x0], $0xffff  }
0x59: {  	v14 =	vor.u32 $0x100, v0;
	_ =	sdelay $0x3  }
0x5a: {  	[tilespmem:$0x22C0] =	vst v1  }
0x5b: {  	v1 =	vld.idx.msk [tilespmem:v14+s2+$0x0], $0xffff  }
0x5c: {  	v15 =	vor.u32 $0x180, v0;
	_ =	sdelay $0x3  }
0x5d: {  	v16 =	vld [tilespmem:$0x2050];
	[tilespmem:$0x2340] =	vst v1  }
0x5e: {  	v1 =	vld.idx.msk [tilespmem:v15+s2+$0x0], $0xffff  }
0x5f: {  	v0 =	vor.u32 $0x200, v0;
	_ =	sdelay $0x3  }
0x60: {  	v17 =	vshll.u32 v16, $0x3;
	[tilespmem:$0x23C0] =	vst v1  }
0x61: {  	v2 =	vand.u32 $0x7F, v16;
	v1 =	vand.u32 $0xFFFFFC00, v17;
	v0 =	vld.idx.msk [tilespmem:v0+s2+$0x0], $0xffff  }
0x62: {  	v1 =	vor.u32 v2, v1;
	_ =	sdelay $0x3  }
0x63: {  	[tilespmem:$0x2440] =	vst v0  }
0x64: {  	v0 =	vld.idx.msk [tilespmem:v1+s2+$0x0], $0xffff  }
0x65: {  	v2 =	vor.u32 $0x80, v1;
	_ =	sdelay $0x3  }
0x66: {  	[tilespmem:$0x2250] =	vst v0  }
0x67: {  	v0 =	vld.idx.msk [tilespmem:v2+s2+$0x0], $0xffff  }
0x68: {  	v18 =	vor.u32 $0x100, v1;
	_ =	sdelay $0x3  }
0x69: {  	[tilespmem:$0x22D0] =	vst v0  }
0x6a: {  	v0 =	vld.idx.msk [tilespmem:v18+s2+$0x0], $0xffff  }
0x6b: {  	v19 =	vor.u32 $0x180, v1;
	_ =	sdelay $0x3  }
0x6c: {  	v20 =	vld [tilespmem:$0x2060];
	[tilespmem:$0x2350] =	vst v0  }
0x6d: {  	v0 =	vld.idx.msk [tilespmem:v19+s2+$0x0], $0xffff  }
0x6e: {  	v1 =	vor.u32 $0x200, v1;
	_ =	sdelay $0x3  }
0x6f: {  	v21 =	vshll.u32 v20, $0x3;
	[tilespmem:$0x23D0] =	vst v0  }
0x70: {  	v2 =	vand.u32 $0x7F, v20;
	v0 =	vand.u32 $0xFFFFFC00, v21;
	v1 =	vld.idx.msk [tilespmem:v1+s2+$0x0], $0xffff  }
0x71: {  	v0 =	vor.u32 v2, v0;
	_ =	sdelay $0x3  }
0x72: {  	[tilespmem:$0x2450] =	vst v1  }
0x73: {  	v1 =	vld.idx.msk [tilespmem:v0+s2+$0x0], $0xffff  }
0x74: {  	v2 =	vor.u32 $0x80, v0;
	_ =	sdelay $0x3  }
0x75: {  	[tilespmem:$0x2260] =	vst v1  }
0x76: {  	v1 =	vld.idx.msk [tilespmem:v2+s2+$0x0], $0xffff  }
0x77: {  	v22 =	vor.u32 $0x100, v0;
	_ =	sdelay $0x3  }
0x78: {  	[tilespmem:$0x22E0] =	vst v1  }
0x79: {  	v1 =	vld.idx.msk [tilespmem:v22+s2+$0x0], $0xffff  }
0x7a: {  	v23 =	vor.u32 $0x180, v0;
	_ =	sdelay $0x3  }
0x7b: {  	v24 =	vld [tilespmem:$0x2070];
	[tilespmem:$0x2360] =	vst v1  }
0x7c: {  	v1 =	vld.idx.msk [tilespmem:v23+s2+$0x0], $0xffff  }
0x7d: {  	v0 =	vor.u32 $0x200, v0;
	_ =	sdelay $0x3  }
0x7e: {  	v25 =	vshll.u32 v24, $0x3;
	[tilespmem:$0x23E0] =	vst v1  }
0x7f: {  	v2 =	vand.u32 $0x7F, v24;
	v1 =	vand.u32 $0xFFFFFC00, v25;
	v0 =	vld.idx.msk [tilespmem:v0+s2+$0x0], $0xffff  }
0x80: {  	v1 =	vor.u32 v2, v1;
	_ =	sdelay $0x3  }
0x81: {  	[tilespmem:$0x2460] =	vst v0  }
0x82: {  	v0 =	vld.idx.msk [tilespmem:v1+s2+$0x0], $0xffff  }
0x83: {  	v2 =	vor.u32 $0x80, v1;
	_ =	sdelay $0x3  }
0x84: {  	[tilespmem:$0x2270] =	vst v0  }
0x85: {  	v0 =	vld.idx.msk [tilespmem:v2+s2+$0x0], $0xffff  }
0x86: {  	v26 =	vor.u32 $0x100, v1;
	_ =	sdelay $0x3  }
0x87: {  	[tilespmem:$0x22F0] =	vst v0  }
0x88: {  	v0 =	vld.idx.msk [tilespmem:v26+s2+$0x0], $0xffff  }
0x89: {  	v27 =	vor.u32 $0x180, v1;
	_ =	sdelay $0x3  }
0x8a: {  	v28 =	vld [tilespmem:$0x2080];
	[tilespmem:$0x2370] =	vst v0  }
0x8b: {  	v0 =	vld.idx.msk [tilespmem:v27+s2+$0x0], $0xffff  }
0x8c: {  	v1 =	vor.u32 $0x200, v1;
	_ =	sdelay $0x3  }
0x8d: {  	v29 =	vshll.u32 v28, $0x3;
	[tilespmem:$0x23F0] =	vst v0  }
0x8e: {  	v2 =	vand.u32 $0x7F, v28;
	v0 =	vand.u32 $0xFFFFFC00, v29;
	v1 =	vld.idx.msk [tilespmem:v1+s2+$0x0], $0xffff  }
0x8f: {  	v0 =	vor.u32 v2, v0;
	_ =	sdelay $0x3  }
0x90: {  	[tilespmem:$0x2470] =	vst v1  }
0x91: {  	v1 =	vld.idx.msk [tilespmem:v0+s2+$0x0], $0xffff  }
0x92: {  	v2 =	vor.u32 $0x80, v0;
	_ =	sdelay $0x3  }
0x93: {  	[tilespmem:$0x2600] =	vst v1  }
0x94: {  	v1 =	vld.idx.msk [tilespmem:v2+s2+$0x0], $0xffff  }
0x95: {  	v30 =	vor.u32 $0x100, v0;
	_ =	sdelay $0x3  }
0x96: {  	[tilespmem:$0x2680] =	vst v1  }
0x97: {  	v1 =	vld.idx.msk [tilespmem:v30+s2+$0x0], $0xffff  }
0x98: {  	v31 =	vor.u32 $0x180, v0;
	_ =	sdelay $0x3  }
0x99: {  	v32 =	vld [tilespmem:$0x2090];
	[tilespmem:$0x2700] =	vst v1  }
0x9a: {  	v1 =	vld.idx.msk [tilespmem:v31+s2+$0x0], $0xffff  }
0x9b: {  	v0 =	vor.u32 $0x200, v0;
	_ =	sdelay $0x3  }
0x9c: {  	v33 =	vshll.u32 v32, $0x3;
	[tilespmem:$0x2780] =	vst v1  }
0x9d: {  	v2 =	vand.u32 $0x7F, v32;
	v1 =	vand.u32 $0xFFFFFC00, v33;
	v0 =	vld.idx.msk [tilespmem:v0+s2+$0x0], $0xffff  }
0x9e: {  	v1 =	vor.u32 v2, v1;
	_ =	sdelay $0x3  }
0x9f: {  	[tilespmem:$0x2800] =	vst v0  }
0xa0: {  	v0 =	vld.idx.msk [tilespmem:v1+s2+$0x0], $0xffff  }
0xa1: {  	v2 =	vor.u32 $0x80, v1;
	_ =	sdelay $0x3  }
0xa2: {  	[tilespmem:$0x2610] =	vst v0  }
0xa3: {  	v0 =	vld.idx.msk [tilespmem:v2+s2+$0x0], $0xffff  }
0xa4: {  	v34 =	vor.u32 $0x100, v1;
	_ =	sdelay $0x3  }
0xa5: {  	[tilespmem:$0x2690] =	vst v0  }
0xa6: {  	v0 =	vld.idx.msk [tilespmem:v34+s2+$0x0], $0xffff  }
0xa7: {  	v35 =	vor.u32 $0x180, v1;
	_ =	sdelay $0x3  }
0xa8: {  	v36 =	vld [tilespmem:$0x20A0];
	[tilespmem:$0x2710] =	vst v0  }
0xa9: {  	v0 =	vld.idx.msk [tilespmem:v35+s2+$0x0], $0xffff  }
0xaa: {  	v1 =	vor.u32 $0x200, v1;
	_ =	sdelay $0x3  }
0xab: {  	v37 =	vshll.u32 v36, $0x3;
	[tilespmem:$0x2790] =	vst v0  }
0xac: {  	v2 =	vand.u32 $0x7F, v36;
	v0 =	vand.u32 $0xFFFFFC00, v37;
	v1 =	vld.idx.msk [tilespmem:v1+s2+$0x0], $0xffff  }
0xad: {  	v0 =	vor.u32 v2, v0;
	_ =	sdelay $0x3  }
0xae: {  	[tilespmem:$0x2810] =	vst v1  }
0xaf: {  	v1 =	vld.idx.msk [tilespmem:v0+s2+$0x0], $0xffff  }
0xb0: {  	v2 =	vor.u32 $0x80, v0;
	_ =	sdelay $0x3  }
0xb1: {  	[tilespmem:$0x2620] =	vst v1  }
0xb2: {  	v1 =	vld.idx.msk [tilespmem:v2+s2+$0x0], $0xffff  }
0xb3: {  	v38 =	vor.u32 $0x100, v0;
	_ =	sdelay $0x3  }
0xb4: {  	[tilespmem:$0x26A0] =	vst v1  }
0xb5: {  	v1 =	vld.idx.msk [tilespmem:v38+s2+$0x0], $0xffff  }
0xb6: {  	v39 =	vor.u32 $0x180, v0;
	_ =	sdelay $0x3  }
0xb7: {  	v40 =	vld [tilespmem:$0x20B0];
	[tilespmem:$0x2720] =	vst v1  }
0xb8: {  	v1 =	vld.idx.msk [tilespmem:v39+s2+$0x0], $0xffff  }
0xb9: {  	v0 =	vor.u32 $0x200, v0;
	_ =	sdelay $0x3  }
0xba: {  	v41 =	vshll.u32 v40, $0x3;
	[tilespmem:$0x27A0] =	vst v1  }
0xbb: {  	v2 =	vand.u32 $0x7F, v40;
	v1 =	vand.u32 $0xFFFFFC00, v41;
	v0 =	vld.idx.msk [tilespmem:v0+s2+$0x0], $0xffff  }
0xbc: {  	v1 =	vor.u32 v2, v1;
	_ =	sdelay $0x3  }
0xbd: {  	[tilespmem:$0x2820] =	vst v0  }
0xbe: {  	v0 =	vld.idx.msk [tilespmem:v1+s2+$0x0], $0xffff  }
0xbf: {  	v2 =	vor.u32 $0x80, v1;
	_ =	sdelay $0x3  }
0xc0: {  	[tilespmem:$0x2630] =	vst v0  }
0xc1: {  	v0 =	vld.idx.msk [tilespmem:v2+s2+$0x0], $0xffff  }
0xc2: {  	v42 =	vor.u32 $0x100, v1;
	_ =	sdelay $0x3  }
0xc3: {  	[tilespmem:$0x26B0] =	vst v0  }
0xc4: {  	v0 =	vld.idx.msk [tilespmem:v42+s2+$0x0], $0xffff  }
0xc5: {  	v43 =	vor.u32 $0x180, v1;
	_ =	sdelay $0x3  }
0xc6: {  	v44 =	vld [tilespmem:$0x20C0];
	[tilespmem:$0x2730] =	vst v0  }
0xc7: {  	v0 =	vld.idx.msk [tilespmem:v43+s2+$0x0], $0xffff  }
0xc8: {  	v1 =	vor.u32 $0x200, v1;
	_ =	sdelay $0x3  }
0xc9: {  	v45 =	vshll.u32 v44, $0x3;
	[tilespmem:$0x27B0] =	vst v0  }
0xca: {  	v2 =	vand.u32 $0x7F, v44;
	v0 =	vand.u32 $0xFFFFFC00, v45;
	v1 =	vld.idx.msk [tilespmem:v1+s2+$0x0], $0xffff  }
0xcb: {  	v0 =	vor.u32 v2, v0;
	_ =	sdelay $0x3  }
0xcc: {  	[tilespmem:$0x2830] =	vst v1  }
0xcd: {  	v1 =	vld.idx.msk [tilespmem:v0+s2+$0x0], $0xffff  }
0xce: {  	v2 =	vor.u32 $0x80, v0;
	_ =	sdelay $0x3  }
0xcf: {  	[tilespmem:$0x2640] =	vst v1  }
0xd0: {  	v1 =	vld.idx.msk [tilespmem:v2+s2+$0x0], $0xffff  }
0xd1: {  	v46 =	vor.u32 $0x100, v0;
	_ =	sdelay $0x3  }
0xd2: {  	[tilespmem:$0x26C0] =	vst v1  }
0xd3: {  	v1 =	vld.idx.msk [tilespmem:v46+s2+$0x0], $0xffff  }
0xd4: {  	v47 =	vor.u32 $0x180, v0;
	_ =	sdelay $0x3  }
0xd5: {  	v48 =	vld [tilespmem:$0x20D0];
	[tilespmem:$0x2740] =	vst v1  }
0xd6: {  	v1 =	vld.idx.msk [tilespmem:v47+s2+$0x0], $0xffff  }
0xd7: {  	v0 =	vor.u32 $0x200, v0;
	_ =	sdelay $0x3  }
0xd8: {  	v49 =	vshll.u32 v48, $0x3;
	[tilespmem:$0x27C0] =	vst v1  }
0xd9: {  	v2 =	vand.u32 $0x7F, v48;
	v1 =	vand.u32 $0xFFFFFC00, v49;
	v0 =	vld.idx.msk [tilespmem:v0+s2+$0x0], $0xffff  }
0xda: {  	v1 =	vor.u32 v2, v1;
	_ =	sdelay $0x3  }
0xdb: {  	[tilespmem:$0x2840] =	vst v0  }
0xdc: {  	v0 =	vld.idx.msk [tilespmem:v1+s2+$0x0], $0xffff  }
0xdd: {  	v2 =	vor.u32 $0x80, v1;
	_ =	sdelay $0x3  }
0xde: {  	[tilespmem:$0x2650] =	vst v0  }
0xdf: {  	v0 =	vld.idx.msk [tilespmem:v2+s2+$0x0], $0xffff  }
0xe0: {  	v50 =	vor.u32 $0x100, v1;
	_ =	sdelay $0x3  }
0xe1: {  	[tilespmem:$0x26D0] =	vst v0  }
0xe2: {  	v0 =	vld.idx.msk [tilespmem:v50+s2+$0x0], $0xffff  }
0xe3: {  	v51 =	vor.u32 $0x180, v1;
	_ =	sdelay $0x3  }
0xe4: {  	v52 =	vld [tilespmem:$0x20E0];
	[tilespmem:$0x2750] =	vst v0  }
0xe5: {  	v0 =	vld.idx.msk [tilespmem:v51+s2+$0x0], $0xffff  }
0xe6: {  	v1 =	vor.u32 $0x200, v1;
	_ =	sdelay $0x3  }
0xe7: {  	v53 =	vshll.u32 v52, $0x3;
	[tilespmem:$0x27D0] =	vst v0  }
0xe8: {  	v2 =	vand.u32 $0x7F, v52;
	v0 =	vand.u32 $0xFFFFFC00, v53;
	v1 =	vld.idx.msk [tilespmem:v1+s2+$0x0], $0xffff  }
0xe9: {  	v0 =	vor.u32 v2, v0;
	_ =	sdelay $0x3  }
0xea: {  	[tilespmem:$0x2850] =	vst v1  }
0xeb: {  	v1 =	vld.idx.msk [tilespmem:v0+s2+$0x0], $0xffff  }
0xec: {  	v2 =	vor.u32 $0x80, v0;
	_ =	sdelay $0x3  }
0xed: {  	[tilespmem:$0x2660] =	vst v1  }
0xee: {  	v1 =	vld.idx.msk [tilespmem:v2+s2+$0x0], $0xffff  }
0xef: {  	v54 =	vor.u32 $0x100, v0;
	_ =	sdelay $0x3  }
0xf0: {  	[tilespmem:$0x26E0] =	vst v1  }
0xf1: {  	v1 =	vld.idx.msk [tilespmem:v54+s2+$0x0], $0xffff  }
0xf2: {  	v55 =	vor.u32 $0x180, v0;
	_ =	sdelay $0x3  }
0xf3: {  	v56 =	vld [tilespmem:$0x20F0];
	[tilespmem:$0x2760] =	vst v1  }
0xf4: {  	v1 =	vld.idx.msk [tilespmem:v55+s2+$0x0], $0xffff  }
0xf5: {  	v0 =	vor.u32 $0x200, v0;
	_ =	sdelay $0x3  }
0xf6: {  	v57 =	vshll.u32 v56, $0x3;
	[tilespmem:$0x27E0] =	vst v1  }
0xf7: {  	v2 =	vand.u32 $0x7F, v56;
	v1 =	vand.u32 $0xFFFFFC00, v57;
	v0 =	vld.idx.msk [tilespmem:v0+s2+$0x0], $0xffff  }
0xf8: {  	v1 =	vor.u32 v2, v1;
	_ =	sdelay $0x3  }
0xf9: {  	[tilespmem:$0x2860] =	vst v0  }
0xfa: {  	v0 =	vld.idx.msk [tilespmem:v1+s2+$0x0], $0xffff  }
0xfb: {  	v2 =	vor.u32 $0x80, v1;
	_ =	sdelay $0x3  }
0xfc: {  	[tilespmem:$0x2670] =	vst v0  }
0xfd: {  	v0 =	vld.idx.msk [tilespmem:v2+s2+$0x0], $0xffff  }
0xfe: {  	v58 =	vor.u32 $0x100, v1;
	_ =	sdelay $0x3  }
0xff: {  	[tilespmem:$0x26F0] =	vst v0  }
0x100: {  	v0 =	vld.idx.msk [tilespmem:v58+s2+$0x0], $0xffff  }
0x101: {  	v59 =	vor.u32 $0x180, v1;
	_ =	sdelay $0x3  }
0x102: {  	v60 =	vld [tilespmem:$0x2100];
	[tilespmem:$0x2770] =	vst v0  }
0x103: {  	v0 =	vld.idx.msk [tilespmem:v59+s2+$0x0], $0xffff  }
0x104: {  	v1 =	vor.u32 $0x200, v1;
	_ =	sdelay $0x3  }
0x105: {  	v61 =	vshll.u32 v60, $0x3;
	[tilespmem:$0x27F0] =	vst v0  }
0x106: {  	v2 =	vand.u32 $0x7F, v60;
	v0 =	vand.u32 $0xFFFFFC00, v61;
	v1 =	vld.idx.msk [tilespmem:v1+s2+$0x0], $0xffff  }
0x107: {  	v0 =	vor.u32 v2, v0;
	_ =	sdelay $0x3  }
0x108: {  	[tilespmem:$0x2870] =	vst v1  }
0x109: {  	v1 =	vld.idx.msk [tilespmem:v0+s2+$0x0], $0xffff  }
0x10a: {  	v2 =	vor.u32 $0x80, v0;
	_ =	sdelay $0x3  }
0x10b: {  	[tilespmem:$0x2A00] =	vst v1  }
0x10c: {  	v1 =	vld.idx.msk [tilespmem:v2+s2+$0x0], $0xffff  }
0x10d: {  	v62 =	vor.u32 $0x100, v0;
	_ =	sdelay $0x3  }
0x10e: {  	[tilespmem:$0x2A80] =	vst v1  }
0x10f: {  	v1 =	vld.idx.msk [tilespmem:v62+s2+$0x0], $0xffff  }
0x110: {  	v63 =	vor.u32 $0x180, v0;
	_ =	sdelay $0x3  }
0x111: {  	v4 =	vld [tilespmem:$0x2110];
	[tilespmem:$0x2B00] =	vst v1  }
0x112: {  	v1 =	vld.idx.msk [tilespmem:v63+s2+$0x0], $0xffff  }
0x113: {  	v0 =	vor.u32 $0x200, v0;
	_ =	sdelay $0x3  }
0x114: {  	v5 =	vshll.u32 v4, $0x3;
	[tilespmem:$0x2B80] =	vst v1  }
0x115: {  	v2 =	vand.u32 $0x7F, v4;
	v1 =	vand.u32 $0xFFFFFC00, v5;
	v0 =	vld.idx.msk [tilespmem:v0+s2+$0x0], $0xffff  }
0x116: {  	v1 =	vor.u32 v2, v1;
	_ =	sdelay $0x3  }
0x117: {  	[tilespmem:$0x2C00] =	vst v0  }
0x118: {  	v0 =	vld.idx.msk [tilespmem:v1+s2+$0x0], $0xffff  }
0x119: {  	v2 =	vor.u32 $0x80, v1;
	_ =	sdelay $0x3  }
0x11a: {  	[tilespmem:$0x2A10] =	vst v0  }
0x11b: {  	v0 =	vld.idx.msk [tilespmem:v2+s2+$0x0], $0xffff  }
0x11c: {  	v6 =	vor.u32 $0x100, v1;
	_ =	sdelay $0x3  }
0x11d: {  	[tilespmem:$0x2A90] =	vst v0  }
0x11e: {  	v0 =	vld.idx.msk [tilespmem:v6+s2+$0x0], $0xffff  }
0x11f: {  	v7 =	vor.u32 $0x180, v1;
	_ =	sdelay $0x3  }
0x120: {  	v8 =	vld [tilespmem:$0x2120];
	[tilespmem:$0x2B10] =	vst v0  }
0x121: {  	v0 =	vld.idx.msk [tilespmem:v7+s2+$0x0], $0xffff  }
0x122: {  	v1 =	vor.u32 $0x200, v1;
	_ =	sdelay $0x3  }
0x123: {  	v9 =	vshll.u32 v8, $0x3;
	[tilespmem:$0x2B90] =	vst v0  }
0x124: {  	v2 =	vand.u32 $0x7F, v8;
	v0 =	vand.u32 $0xFFFFFC00, v9;
	v1 =	vld.idx.msk [tilespmem:v1+s2+$0x0], $0xffff  }
0x125: {  	v0 =	vor.u32 v2, v0;
	_ =	sdelay $0x3  }
0x126: {  	[tilespmem:$0x2C10] =	vst v1  }
0x127: {  	v1 =	vld.idx.msk [tilespmem:v0+s2+$0x0], $0xffff  }
0x128: {  	v2 =	vor.u32 $0x80, v0;
	_ =	sdelay $0x3  }
0x129: {  	[tilespmem:$0x2A20] =	vst v1  }
0x12a: {  	v1 =	vld.idx.msk [tilespmem:v2+s2+$0x0], $0xffff  }
0x12b: {  	v10 =	vor.u32 $0x100, v0;
	_ =	sdelay $0x3  }
0x12c: {  	[tilespmem:$0x2AA0] =	vst v1  }
0x12d: {  	v1 =	vld.idx.msk [tilespmem:v10+s2+$0x0], $0xffff  }
0x12e: {  	v11 =	vor.u32 $0x180, v0;
	_ =	sdelay $0x3  }
0x12f: {  	v12 =	vld [tilespmem:$0x2130];
	[tilespmem:$0x2B20] =	vst v1  }
0x130: {  	v1 =	vld.idx.msk [tilespmem:v11+s2+$0x0], $0xffff  }
0x131: {  	v0 =	vor.u32 $0x200, v0;
	_ =	sdelay $0x3  }
0x132: {  	v13 =	vshll.u32 v12, $0x3;
	[tilespmem:$0x2BA0] =	vst v1  }
0x133: {  	v2 =	vand.u32 $0x7F, v12;
	v1 =	vand.u32 $0xFFFFFC00, v13;
	v0 =	vld.idx.msk [tilespmem:v0+s2+$0x0], $0xffff  }
0x134: {  	v1 =	vor.u32 v2, v1;
	_ =	sdelay $0x3  }
0x135: {  	[tilespmem:$0x2C20] =	vst v0  }
0x136: {  	v0 =	vld.idx.msk [tilespmem:v1+s2+$0x0], $0xffff  }
0x137: {  	v2 =	vor.u32 $0x80, v1;
	_ =	sdelay $0x3  }
0x138: {  	[tilespmem:$0x2A30] =	vst v0  }
0x139: {  	v0 =	vld.idx.msk [tilespmem:v2+s2+$0x0], $0xffff  }
0x13a: {  	v14 =	vor.u32 $0x100, v1;
	_ =	sdelay $0x3  }
0x13b: {  	[tilespmem:$0x2AB0] =	vst v0  }
0x13c: {  	v0 =	vld.idx.msk [tilespmem:v14+s2+$0x0], $0xffff  }
0x13d: {  	v15 =	vor.u32 $0x180, v1;
	_ =	sdelay $0x3  }
0x13e: {  	v16 =	vld [tilespmem:$0x2140];
	[tilespmem:$0x2B30] =	vst v0  }
0x13f: {  	v0 =	vld.idx.msk [tilespmem:v15+s2+$0x0], $0xffff  }
0x140: {  	v1 =	vor.u32 $0x200, v1;
	_ =	sdelay $0x3  }
0x141: {  	v17 =	vshll.u32 v16, $0x3;
	[tilespmem:$0x2BB0] =	vst v0  }
0x142: {  	v2 =	vand.u32 $0x7F, v16;
	v0 =	vand.u32 $0xFFFFFC00, v17;
	v1 =	vld.idx.msk [tilespmem:v1+s2+$0x0], $0xffff  }
0x143: {  	v0 =	vor.u32 v2, v0;
	_ =	sdelay $0x3  }
0x144: {  	[tilespmem:$0x2C30] =	vst v1  }
0x145: {  	v1 =	vld.idx.msk [tilespmem:v0+s2+$0x0], $0xffff  }
0x146: {  	v2 =	vor.u32 $0x80, v0;
	_ =	sdelay $0x3  }
0x147: {  	[tilespmem:$0x2A40] =	vst v1  }
0x148: {  	v1 =	vld.idx.msk [tilespmem:v2+s2+$0x0], $0xffff  }
0x149: {  	v18 =	vor.u32 $0x100, v0;
	_ =	sdelay $0x3  }
0x14a: {  	[tilespmem:$0x2AC0] =	vst v1  }
0x14b: {  	v1 =	vld.idx.msk [tilespmem:v18+s2+$0x0], $0xffff  }
0x14c: {  	v19 =	vor.u32 $0x180, v0;
	_ =	sdelay $0x3  }
0x14d: {  	v20 =	vld [tilespmem:$0x2150];
	[tilespmem:$0x2B40] =	vst v1  }
0x14e: {  	v1 =	vld.idx.msk [tilespmem:v19+s2+$0x0], $0xffff  }
0x14f: {  	v0 =	vor.u32 $0x200, v0;
	_ =	sdelay $0x3  }
0x150: {  	v21 =	vshll.u32 v20, $0x3;
	[tilespmem:$0x2BC0] =	vst v1  }
0x151: {  	v2 =	vand.u32 $0x7F, v20;
	v1 =	vand.u32 $0xFFFFFC00, v21;
	v0 =	vld.idx.msk [tilespmem:v0+s2+$0x0], $0xffff  }
0x152: {  	v1 =	vor.u32 v2, v1;
	_ =	sdelay $0x3  }
0x153: {  	[tilespmem:$0x2C40] =	vst v0  }
0x154: {  	v0 =	vld.idx.msk [tilespmem:v1+s2+$0x0], $0xffff  }
0x155: {  	v2 =	vor.u32 $0x80, v1;
	_ =	sdelay $0x3  }
0x156: {  	[tilespmem:$0x2A50] =	vst v0  }
0x157: {  	v0 =	vld.idx.msk [tilespmem:v2+s2+$0x0], $0xffff  }
0x158: {  	v22 =	vor.u32 $0x100, v1;
	_ =	sdelay $0x3  }
0x159: {  	[tilespmem:$0x2AD0] =	vst v0  }
0x15a: {  	v0 =	vld.idx.msk [tilespmem:v22+s2+$0x0], $0xffff  }
0x15b: {  	v23 =	vor.u32 $0x180, v1;
	_ =	sdelay $0x3  }
0x15c: {  	v24 =	vld [tilespmem:$0x2160];
	[tilespmem:$0x2B50] =	vst v0  }
0x15d: {  	v0 =	vld.idx.msk [tilespmem:v23+s2+$0x0], $0xffff  }
0x15e: {  	v1 =	vor.u32 $0x200, v1;
	_ =	sdelay $0x3  }
0x15f: {  	v25 =	vshll.u32 v24, $0x3;
	[tilespmem:$0x2BD0] =	vst v0  }
0x160: {  	v2 =	vand.u32 $0x7F, v24;
	v0 =	vand.u32 $0xFFFFFC00, v25;
	v1 =	vld.idx.msk [tilespmem:v1+s2+$0x0], $0xffff  }
0x161: {  	v0 =	vor.u32 v2, v0;
	_ =	sdelay $0x3  }
0x162: {  	[tilespmem:$0x2C50] =	vst v1  }
0x163: {  	v1 =	vld.idx.msk [tilespmem:v0+s2+$0x0], $0xffff  }
0x164: {  	v2 =	vor.u32 $0x80, v0;
	_ =	sdelay $0x3  }
0x165: {  	[tilespmem:$0x2A60] =	vst v1  }
0x166: {  	v1 =	vld.idx.msk [tilespmem:v2+s2+$0x0], $0xffff  }
0x167: {  	v26 =	vor.u32 $0x100, v0;
	_ =	sdelay $0x3  }
0x168: {  	[tilespmem:$0x2AE0] =	vst v1  }
0x169: {  	v1 =	vld.idx.msk [tilespmem:v26+s2+$0x0], $0xffff  }
0x16a: {  	v27 =	vor.u32 $0x180, v0;
	_ =	sdelay $0x3  }
0x16b: {  	v28 =	vld [tilespmem:$0x2170];
	[tilespmem:$0x2B60] =	vst v1  }
0x16c: {  	v1 =	vld.idx.msk [tilespmem:v27+s2+$0x0], $0xffff  }
0x16d: {  	v0 =	vor.u32 $0x200, v0;
	_ =	sdelay $0x3  }
0x16e: {  	v29 =	vshll.u32 v28, $0x3;
	[tilespmem:$0x2BE0] =	vst v1  }
0x16f: {  	v2 =	vand.u32 $0x7F, v28;
	v1 =	vand.u32 $0xFFFFFC00, v29;
	v0 =	vld.idx.msk [tilespmem:v0+s2+$0x0], $0xffff  }
0x170: {  	v1 =	vor.u32 v2, v1;
	_ =	sdelay $0x3  }
0x171: {  	[tilespmem:$0x2C60] =	vst v0  }
0x172: {  	v0 =	vld.idx.msk [tilespmem:v1+s2+$0x0], $0xffff  }
0x173: {  	v2 =	vor.u32 $0x80, v1;
	_ =	sdelay $0x3  }
0x174: {  	[tilespmem:$0x2A70] =	vst v0  }
0x175: {  	v0 =	vld.idx.msk [tilespmem:v2+s2+$0x0], $0xffff  }
0x176: {  	v30 =	vor.u32 $0x100, v1;
	_ =	sdelay $0x3  }
0x177: {  	[tilespmem:$0x2AF0] =	vst v0  }
0x178: {  	v0 =	vld.idx.msk [tilespmem:v30+s2+$0x0], $0xffff  }
0x179: {  	v31 =	vor.u32 $0x180, v1;
	_ =	sdelay $0x3  }
0x17a: {  	v32 =	vld [tilespmem:$0x2180];
	[tilespmem:$0x2B70] =	vst v0  }
0x17b: {  	v0 =	vld.idx.msk [tilespmem:v31+s2+$0x0], $0xffff  }
0x17c: {  	v1 =	vor.u32 $0x200, v1;
	_ =	sdelay $0x3  }
0x17d: {  	v33 =	vshll.u32 v32, $0x3;
	[tilespmem:$0x2BF0] =	vst v0  }
0x17e: {  	v2 =	vand.u32 $0x7F, v32;
	v0 =	vand.u32 $0xFFFFFC00, v33;
	v1 =	vld.idx.msk [tilespmem:v1+s2+$0x0], $0xffff  }
0x17f: {  	v0 =	vor.u32 v2, v0;
	_ =	sdelay $0x3  }
0x180: {  	[tilespmem:$0x2C70] =	vst v1  }
0x181: {  	v1 =	vld.idx.msk [tilespmem:v0+s2+$0x0], $0xffff  }
0x182: {  	v2 =	vor.u32 $0x80, v0;
	_ =	sdelay $0x3  }
0x183: {  	[tilespmem:$0x2E00] =	vst v1  }
0x184: {  	v1 =	vld.idx.msk [tilespmem:v2+s2+$0x0], $0xffff  }
0x185: {  	v34 =	vor.u32 $0x100, v0;
	_ =	sdelay $0x3  }
0x186: {  	[tilespmem:$0x2E80] =	vst v1  }
0x187: {  	v1 =	vld.idx.msk [tilespmem:v34+s2+$0x0], $0xffff  }
0x188: {  	v35 =	vor.u32 $0x180, v0;
	_ =	sdelay $0x3  }
0x189: {  	v36 =	vld [tilespmem:$0x2190];
	[tilespmem:$0x2F00] =	vst v1  }
0x18a: {  	v1 =	vld.idx.msk [tilespmem:v35+s2+$0x0], $0xffff  }
0x18b: {  	v0 =	vor.u32 $0x200, v0;
	_ =	sdelay $0x3  }
0x18c: {  	v37 =	vshll.u32 v36, $0x3;
	[tilespmem:$0x2F80] =	vst v1  }
0x18d: {  	v2 =	vand.u32 $0x7F, v36;
	v1 =	vand.u32 $0xFFFFFC00, v37;
	v0 =	vld.idx.msk [tilespmem:v0+s2+$0x0], $0xffff  }
0x18e: {  	v1 =	vor.u32 v2, v1;
	_ =	sdelay $0x3  }
0x18f: {  	[tilespmem:$0x3000] =	vst v0  }
0x190: {  	v0 =	vld.idx.msk [tilespmem:v1+s2+$0x0], $0xffff  }
0x191: {  	v2 =	vor.u32 $0x80, v1;
	_ =	sdelay $0x3  }
0x192: {  	[tilespmem:$0x2E10] =	vst v0  }
0x193: {  	v0 =	vld.idx.msk [tilespmem:v2+s2+$0x0], $0xffff  }
0x194: {  	v38 =	vor.u32 $0x100, v1;
	_ =	sdelay $0x3  }
0x195: {  	[tilespmem:$0x2E90] =	vst v0  }
0x196: {  	v0 =	vld.idx.msk [tilespmem:v38+s2+$0x0], $0xffff  }
0x197: {  	v39 =	vor.u32 $0x180, v1;
	_ =	sdelay $0x3  }
0x198: {  	v40 =	vld [tilespmem:$0x21A0];
	[tilespmem:$0x2F10] =	vst v0  }
0x199: {  	v0 =	vld.idx.msk [tilespmem:v39+s2+$0x0], $0xffff  }
0x19a: {  	v1 =	vor.u32 $0x200, v1;
	_ =	sdelay $0x3  }
0x19b: {  	v41 =	vshll.u32 v40, $0x3;
	[tilespmem:$0x2F90] =	vst v0  }
0x19c: {  	v2 =	vand.u32 $0x7F, v40;
	v0 =	vand.u32 $0xFFFFFC00, v41;
	v1 =	vld.idx.msk [tilespmem:v1+s2+$0x0], $0xffff  }
0x19d: {  	v0 =	vor.u32 v2, v0;
	_ =	sdelay $0x3  }
0x19e: {  	[tilespmem:$0x3010] =	vst v1  }
0x19f: {  	v1 =	vld.idx.msk [tilespmem:v0+s2+$0x0], $0xffff  }
0x1a0: {  	v2 =	vor.u32 $0x80, v0;
	_ =	sdelay $0x3  }
0x1a1: {  	[tilespmem:$0x2E20] =	vst v1  }
0x1a2: {  	v1 =	vld.idx.msk [tilespmem:v2+s2+$0x0], $0xffff  }
0x1a3: {  	v42 =	vor.u32 $0x100, v0;
	_ =	sdelay $0x3  }
0x1a4: {  	[tilespmem:$0x2EA0] =	vst v1  }
0x1a5: {  	v1 =	vld.idx.msk [tilespmem:v42+s2+$0x0], $0xffff  }
0x1a6: {  	v43 =	vor.u32 $0x180, v0;
	_ =	sdelay $0x3  }
0x1a7: {  	v44 =	vld [tilespmem:$0x21B0];
	[tilespmem:$0x2F20] =	vst v1  }
0x1a8: {  	v1 =	vld.idx.msk [tilespmem:v43+s2+$0x0], $0xffff  }
0x1a9: {  	v0 =	vor.u32 $0x200, v0;
	_ =	sdelay $0x3  }
0x1aa: {  	v45 =	vshll.u32 v44, $0x3;
	[tilespmem:$0x2FA0] =	vst v1  }
0x1ab: {  	v2 =	vand.u32 $0x7F, v44;
	v1 =	vand.u32 $0xFFFFFC00, v45;
	v0 =	vld.idx.msk [tilespmem:v0+s2+$0x0], $0xffff  }
0x1ac: {  	v1 =	vor.u32 v2, v1;
	_ =	sdelay $0x3  }
0x1ad: {  	[tilespmem:$0x3020] =	vst v0  }
0x1ae: {  	v0 =	vld.idx.msk [tilespmem:v1+s2+$0x0], $0xffff  }
0x1af: {  	v2 =	vor.u32 $0x80, v1;
	_ =	sdelay $0x3  }
0x1b0: {  	[tilespmem:$0x2E30] =	vst v0  }
0x1b1: {  	v0 =	vld.idx.msk [tilespmem:v2+s2+$0x0], $0xffff  }
0x1b2: {  	v46 =	vor.u32 $0x100, v1;
	_ =	sdelay $0x3  }
0x1b3: {  	[tilespmem:$0x2EB0] =	vst v0  }
0x1b4: {  	v0 =	vld.idx.msk [tilespmem:v46+s2+$0x0], $0xffff  }
0x1b5: {  	v47 =	vor.u32 $0x180, v1;
	_ =	sdelay $0x3  }
0x1b6: {  	v48 =	vld [tilespmem:$0x21C0];
	[tilespmem:$0x2F30] =	vst v0  }
0x1b7: {  	v0 =	vld.idx.msk [tilespmem:v47+s2+$0x0], $0xffff  }
0x1b8: {  	v1 =	vor.u32 $0x200, v1;
	_ =	sdelay $0x3  }
0x1b9: {  	v49 =	vshll.u32 v48, $0x3;
	[tilespmem:$0x2FB0] =	vst v0  }
0x1ba: {  	v2 =	vand.u32 $0x7F, v48;
	v0 =	vand.u32 $0xFFFFFC00, v49;
	v1 =	vld.idx.msk [tilespmem:v1+s2+$0x0], $0xffff  }
0x1bb: {  	v0 =	vor.u32 v2, v0;
	_ =	sdelay $0x3  }
0x1bc: {  	[tilespmem:$0x3030] =	vst v1  }
0x1bd: {  	v1 =	vld.idx.msk [tilespmem:v0+s2+$0x0], $0xffff  }
0x1be: {  	v2 =	vor.u32 $0x80, v0;
	_ =	sdelay $0x3  }
0x1bf: {  	[tilespmem:$0x2E40] =	vst v1  }
0x1c0: {  	v1 =	vld.idx.msk [tilespmem:v2+s2+$0x0], $0xffff  }
0x1c1: {  	v50 =	vor.u32 $0x100, v0;
	_ =	sdelay $0x3  }
0x1c2: {  	[tilespmem:$0x2EC0] =	vst v1  }
0x1c3: {  	v1 =	vld.idx.msk [tilespmem:v50+s2+$0x0], $0xffff  }
0x1c4: {  	v51 =	vor.u32 $0x180, v0;
	_ =	sdelay $0x3  }
0x1c5: {  	v52 =	vld [tilespmem:$0x21D0];
	[tilespmem:$0x2F40] =	vst v1  }
0x1c6: {  	v1 =	vld.idx.msk [tilespmem:v51+s2+$0x0], $0xffff  }
0x1c7: {  	v0 =	vor.u32 $0x200, v0;
	_ =	sdelay $0x3  }
0x1c8: {  	v53 =	vshll.u32 v52, $0x3;
	[tilespmem:$0x2FC0] =	vst v1  }
0x1c9: {  	v2 =	vand.u32 $0x7F, v52;
	v1 =	vand.u32 $0xFFFFFC00, v53;
	v0 =	vld.idx.msk [tilespmem:v0+s2+$0x0], $0xffff  }
0x1ca: {  	v1 =	vor.u32 v2, v1;
	_ =	sdelay $0x3  }
0x1cb: {  	[tilespmem:$0x3040] =	vst v0  }
0x1cc: {  	v0 =	vld.idx.msk [tilespmem:v1+s2+$0x0], $0xffff  }
0x1cd: {  	v2 =	vor.u32 $0x80, v1;
	_ =	sdelay $0x3  }
0x1ce: {  	[tilespmem:$0x2E50] =	vst v0  }
0x1cf: {  	v0 =	vld.idx.msk [tilespmem:v2+s2+$0x0], $0xffff  }
0x1d0: {  	v54 =	vor.u32 $0x100, v1;
	_ =	sdelay $0x3  }
0x1d1: {  	[tilespmem:$0x2ED0] =	vst v0  }
0x1d2: {  	v0 =	vld.idx.msk [tilespmem:v54+s2+$0x0], $0xffff  }
0x1d3: {  	v55 =	vor.u32 $0x180, v1;
	_ =	sdelay $0x3  }
0x1d4: {  	v56 =	vld [tilespmem:$0x21E0];
	[tilespmem:$0x2F50] =	vst v0  }
0x1d5: {  	v0 =	vld.idx.msk [tilespmem:v55+s2+$0x0], $0xffff  }
0x1d6: {  	v1 =	vor.u32 $0x200, v1;
	_ =	sdelay $0x3  }
0x1d7: {  	v57 =	vshll.u32 v56, $0x3;
	[tilespmem:$0x2FD0] =	vst v0  }
0x1d8: {  	v2 =	vand.u32 $0x7F, v56;
	v0 =	vand.u32 $0xFFFFFC00, v57;
	v1 =	vld.idx.msk [tilespmem:v1+s2+$0x0], $0xffff  }
0x1d9: {  	v0 =	vor.u32 v2, v0;
	_ =	sdelay $0x3  }
0x1da: {  	[tilespmem:$0x3050] =	vst v1  }
0x1db: {  	v1 =	vld.idx.msk [tilespmem:v0+s2+$0x0], $0xffff  }
0x1dc: {  	v2 =	vor.u32 $0x80, v0;
	_ =	sdelay $0x3  }
0x1dd: {  	[tilespmem:$0x2E60] =	vst v1  }
0x1de: {  	v1 =	vld.idx.msk [tilespmem:v2+s2+$0x0], $0xffff  }
0x1df: {  	v58 =	vor.u32 $0x100, v0;
	_ =	sdelay $0x3  }
0x1e0: {  	[tilespmem:$0x2EE0] =	vst v1  }
0x1e1: {  	v1 =	vld.idx.msk [tilespmem:v58+s2+$0x0], $0xffff  }
0x1e2: {  	v59 =	vor.u32 $0x180, v0;
	_ =	sdelay $0x3  }
0x1e3: {  	v60 =	vld [tilespmem:$0x21F0];
	[tilespmem:$0x2F60] =	vst v1  }
0x1e4: {  	v1 =	vld.idx.msk [tilespmem:v59+s2+$0x0], $0xffff  }
0x1e5: {  	v0 =	vor.u32 $0x200, v0;
	_ =	sdelay $0x3  }
0x1e6: {  	v61 =	vshll.u32 v60, $0x3;
	[tilespmem:$0x2FE0] =	vst v1  }
0x1e7: {  	v2 =	vand.u32 $0x7F, v60;
	v1 =	vand.u32 $0xFFFFFC00, v61;
	v0 =	vld.idx.msk [tilespmem:v0+s2+$0x0], $0xffff  }
0x1e8: {  	v1 =	vor.u32 v2, v1;
	_ =	sdelay $0x3  }
0x1e9: {  	[tilespmem:$0x3060] =	vst v0  }
0x1ea: {  	v0 =	vld.idx.msk [tilespmem:v1+s2+$0x0], $0xffff  }
0x1eb: {  	v2 =	vor.u32 $0x80, v1;
	_ =	sdelay $0x3  }
0x1ec: {  	[tilespmem:$0x2E70] =	vst v0  }
0x1ed: {  	v0 =	vld.idx.msk [tilespmem:v2+s2+$0x0], $0xffff  }
0x1ee: {  	v62 =	vor.u32 $0x100, v1;
	_ =	sdelay $0x3  }
0x1ef: {  	[tilespmem:$0x2EF0] =	vst v0  }
0x1f0: {  	v0 =	vld.idx.msk [tilespmem:v62+s2+$0x0], $0xffff  }
0x1f1: {  	v63 =	vor.u32 $0x180, v1;
	_ =	sdelay $0x3  }
0x1f2: {  	[tilespmem:$0x2F70] =	vst v0  }
0x1f3: {  	v0 =	vld.idx.msk [tilespmem:v63+s2+$0x0], $0xffff  }
0x1f4: {  	v1 =	vor.u32 $0x200, v1;
	_ =	sdelay $0x3  }
0x1f5: {  	[tilespmem:$0x2FF0] =	vst v0  }
0x1f6: {  	v0 =	vld.idx.msk [tilespmem:v1+s2+$0x0], $0xffff;
	_ =	sdelay $0x3  }
0x1f7: {  	p0 =	sne.s32 s6, $0x1  }
.Ltmp0:
0x1f8: {  	[tilespmem:$0x3070] =	vst v0;
	(pc) =	sbr.rel @p0 .LBB2_1-.Ltmp0, $4  }
0x1f9: {  	[hbm4b:s5+s2] =	stream.linear.scatter [tilespmem:s10], [sflag:$0x3], $0x1000, $0x38;
	[tilespmem:$0x3200] =	vst v63  }
0x1fa: {  	_ =	swait.ge [sflag:s11], $0x1000  }
0x1fb: {  	[sflag:s11] =	ssyncset.done $0x0  }
0x1fc: {  	s6 =	sadd.s32 $0xFFFFFFFF, s6;
	[sflag:s11] =	ssyncadd.s32 $0xFFFFF000  }
0x1fd: {  	_ =	sfence.sel $0x180000  }
0x1fe: {  	[bflag:$0x0] =	sbarrier.arrive $0xFFFF  }
0x1ff: {  	p0 =	sne.s32 s1, $0x0;
	_ =	strace $0x90000047  }
0x200: {  	s0 =	sadd.s32 @!p0 $0x100000, s0;
	[bflag:$0x2] =	sbarrier.arrive $0xFFFF  }
0x201: {  	[sflag:s0] =	ssyncadd.tile.s32 @!p0 $0x1;
	_ =	shalt  }
.Lfunc_end2:
_tile_overlayer_lowered:
.L_overlay_start_2:
0x202: {  	(tag) =	ssettag $0x2  }
0x203: {  	s0 =	rddreg [dreg:$0x0];
	s2 =	stileid.u32  }
0x204: {  	s1 =	rddreg [dreg:$0x1];
	p0 =	sne.s32 s2, $0x0  }
0x205: {  	s3 =	rddreg [dreg:$0x2];
	[bflag:$0x3] =	sbarrier.arrive $0xFFFF;
	s2 =	simm.s32 @!p0 $0x1C03  }
0x206: {  	[timem:s3], [sflag:s2] =	dma.local @!p0 [hbm:s0], s1  }
0x207: {  	s0 =	simm.s32 @!p0 $0x3  }
0x208: {  	_ =	swait.ge @!p0 [sflag:s0], s1  }
0x209: {  	s1 =	ssub.s32 @!p0 $0x0, s1;
	[sflag:s0] =	ssyncset.done @!p0 $0x0  }
0x20a: {  	[sflag:s0] =	ssyncadd.s32 @!p0 s1  }
0x20b: {  	[bflag:$0x3] =	sbarrier.arrive $0xFFFF  }
0x20c: {  	_ =	shalt  }

</sc_bundles>
